<compile_context>
chip_gen: v7x
topology: tpu7x:2x2x1
jax: 0.10.2.dev20260603
libtpu: 0.0.44.dev20260713+nightly
codegen_flags: <defaults>
</compile_context>

<pallas_src>
import functools
import jax
import jax.numpy as jnp
from jax import lax
from jax.experimental import pallas as pl
from jax.experimental.pallas import tpu as pltpu
from jax.experimental.pallas import tpu_sc as plsc

_NC = 2
_NS = 16
_NW = _NC * _NS
_LB = 128


def _leaky_relu(x):
    return jnp.where(x >= 0, x, 0.01 * x)


def _node_embed_body(nf_ref, wn_ref, bn_ref, hv_ref):
    hv_ref[...] = _leaky_relu(
        jnp.dot(nf_ref[...], wn_ref[...], preferred_element_type=jnp.float32)
        + bn_ref[...])


def _edge_body(nfsrc_ref, ef_ref, wet_ref, web_ref, be_ref, wn_ref, bn_ref,
               wmsg_ref, bmsg_ref, w1_ref, w2_ref, bl_ref, em_ref, ex_ref):
    nfs = nfsrc_ref[...]
    q = jnp.dot(ef_ref[...], web_ref[...], preferred_element_type=jnp.float32) + be_ref[...]
    h_wv = _leaky_relu(jnp.dot(nfs, wet_ref[...], preferred_element_type=jnp.float32) + q)
    m = jnp.dot(h_wv, wmsg_ref[...], preferred_element_type=jnp.float32) + bmsg_ref[...]
    h_vsrc = _leaky_relu(jnp.dot(nfs, wn_ref[...], preferred_element_type=jnp.float32)
                         + bn_ref[...])
    t = (jnp.dot(h_vsrc, w1_ref[...], preferred_element_type=jnp.float32)
         + jnp.dot(h_wv, w2_ref[...], preferred_element_type=jnp.float32))
    logit = _leaky_relu(t + bl_ref[...])
    ex = jnp.exp(logit)
    ex_ref[...] = jnp.concatenate([ex, jnp.zeros((ex.shape[0], 15), jnp.float32)], axis=1)
    em_ref[...] = ex * m


def _gru_body(s0_ref, s1_ref, den_ref, hv_ref, wih_t_ref, bih_ref, whh_t_ref,
              bhh_ref, out_ref):
    den = den_ref[...]
    den = jnp.where(den > 0, den, 1.0)
    c = (s0_ref[...] + s1_ref[...]) / den
    c = jnp.where(c >= 0, c, jnp.exp(jnp.minimum(c, 0.0)) - 1.0)
    gi = jnp.dot(c, wih_t_ref[...], preferred_element_type=jnp.float32) + bih_ref[...]
    gh = jnp.dot(hv_ref[...], whh_t_ref[...], preferred_element_type=jnp.float32) + bhh_ref[...]
    nh = out_ref.shape[1]
    i_r = gi[:, :nh]; i_z = gi[:, nh:2 * nh]; i_n = gi[:, 2 * nh:]
    h_r = gh[:, :nh]; h_z = gh[:, nh:2 * nh]; h_n = gh[:, 2 * nh:]
    r = jax.nn.sigmoid(i_r + h_r)
    z = jax.nn.sigmoid(i_z + h_z)
    n = jnp.tanh(i_n + r * h_n)
    hv = hv_ref[...]
    h_new = (1.0 - z) * n + z * hv
    out_ref[...] = jnp.maximum(h_new, 0.0)


def _sc_gather_body(KB, nf_hbm, src2d_hbm, nfsrc_hbm, idx_v, rows_a, rows_b,
                    gsem_a, gsem_b, wsem_a, wsem_b):
    cid = lax.axis_index("c")
    sid = lax.axis_index("s")
    wid = sid * _NC + cid
    rbase = wid * KB
    pltpu.sync_copy(src2d_hbm.at[pl.ds(rbase, KB)], idx_v)
    bufs = (rows_a, rows_b)
    gsems = (gsem_a, gsem_b)
    wsems = (wsem_a, wsem_b)

    def pair(i, carry):
        for b in range(2):
            j = 2 * i + b
            buf, gs, ws = bufs[b], gsems[b], wsems[b]

            @pl.when(i > 0)
            def _():
                pltpu.make_async_copy(buf, nfsrc_hbm.at[pl.ds(0, _LB)], ws).wait()

            pltpu.async_copy(nf_hbm.at[idx_v.at[j]], buf, gs).wait()
            pltpu.async_copy(buf, nfsrc_hbm.at[pl.ds((rbase + j) * _LB, _LB)], ws)
        return carry

    lax.fori_loop(0, KB // 2, pair, 0)
    pltpu.make_async_copy(rows_a, nfsrc_hbm.at[pl.ds(0, _LB)], wsem_a).wait()
    pltpu.make_async_copy(rows_b, nfsrc_hbm.at[pl.ds(0, _LB)], wsem_b).wait()


def _sc_scatter_body(KB, NSH, z_hbm, em_hbm, dst2d_hbm, sout_hbm,
                     idx_v, em_buf, em_buf2, sharedS, sem, lsem, lsem2):
    cid = lax.axis_index("c")
    sid = lax.axis_index("s")
    wid = sid * _NC + cid
    rows_per_tile = NSH // _NS
    tbase = sid * rows_per_tile

    pltpu.sync_copy(z_hbm, em_buf)

    def zcp(i, c):
        pltpu.sync_copy(em_buf.at[pl.ds(0, 8)], sharedS.at[pl.ds(tbase + i * 8, 8)])
        return c
    lax.fori_loop(0, rows_per_tile // 8, zcp, 0)
    plsc.subcore_barrier()

    pltpu.sync_copy(dst2d_hbm.at[pl.ds(wid * KB, KB)], idx_v)

    pltpu.sync_copy(em_hbm.at[pl.ds(wid * KB * _LB, _LB)], em_buf)

    def pair(i, c2):
        j = 2 * i
        cpb = pltpu.async_copy(em_hbm.at[pl.ds((wid * KB + j + 1) * _LB, _LB)],
                               em_buf2, lsem)
        pltpu.sync_copy(em_buf, sharedS.at[idx_v.at[j]], add=True)
        cpb.wait()

        @pl.when(j + 2 < KB)
        def _():
            pltpu.async_copy(em_hbm.at[pl.ds((wid * KB + j + 2) * _LB, _LB)],
                             em_buf, lsem2)
        pltpu.sync_copy(em_buf2, sharedS.at[idx_v.at[j + 1]], add=True)

        @pl.when(j + 2 < KB)
        def _():
            pltpu.make_async_copy(em_hbm.at[pl.ds(0, _LB)], em_buf, lsem2).wait()
        return c2
    lax.fori_loop(0, KB // 2, pair, 0)
    plsc.subcore_barrier()

    def rb(i, c):
        pltpu.sync_copy(sharedS.at[pl.ds(tbase + i * 8, 8)], em_buf.at[pl.ds(0, 8)])
        pltpu.sync_copy(em_buf.at[pl.ds(0, 8)],
                        sout_hbm.at[pl.ds(cid * NSH + tbase + i * 8, 8)])
        return c
    lax.fori_loop(0, rows_per_tile // 8, rb, 0)




def kernel(node_feats, edge_feats, edge_index, W_node, b_node, W_edge, b_edge,
           W_logit, b_logit, W_msg, b_msg, W_ih, b_ih, W_hh, b_hh):
    N, DF = node_feats.shape
    E, DE = edge_feats.shape
    NH = W_node.shape[1]
    CS = W_msg.shape[1]
    src = edge_index[0].astype(jnp.int32)
    dst = edge_index[1].astype(jnp.int32)

    BN = 1000
    BE = 4000

    w1 = W_logit[:NH]
    w2 = W_logit[NH:]
    wet = W_edge[:DF]
    web = W_edge[DF:]

    hv = pl.pallas_call(
        _node_embed_body,
        grid=(N // BN,),
        in_specs=[
            pl.BlockSpec((BN, DF), lambda i: (i, 0)),
            pl.BlockSpec((DF, NH), lambda i: (0, 0)),
            pl.BlockSpec((1, NH), lambda i: (0, 0)),
        ],
        out_specs=pl.BlockSpec((BN, NH), lambda i: (i, 0)),
        out_shape=jax.ShapeDtypeStruct((N, NH), jnp.float32),
            )(node_feats, W_node, b_node.reshape(1, NH))

    KB = ((-(-E // (_NW * _LB))) + 7) // 8 * 8
    E2 = _NW * KB * _LB
    NSH = 10112
    pad = E2 - E
    src2d = jnp.concatenate([src, jnp.zeros((pad,), jnp.int32)]).reshape(E2 // _LB, _LB)
    dst2d = jnp.concatenate([dst, jnp.full((pad,), N, jnp.int32)]).reshape(E2 // _LB, _LB)

    mesh = plsc.VectorSubcoreMesh(core_axis_name="c", subcore_axis_name="s")
    NFsrc = pl.kernel(
            functools.partial(_sc_gather_body, KB),
            out_type=jax.ShapeDtypeStruct((E2, DF), jnp.float32),
            mesh=mesh,
            scratch_types=[
                pltpu.VMEM((KB, _LB), jnp.int32),
                pltpu.VMEM((_LB, DF), jnp.float32),
                pltpu.VMEM((_LB, DF), jnp.float32),
                pltpu.SemaphoreType.DMA,
                pltpu.SemaphoreType.DMA,
                pltpu.SemaphoreType.DMA,
                pltpu.SemaphoreType.DMA,
            ],
    )(node_feats, src2d)

    em, ex = pl.pallas_call(
        _edge_body,
        grid=(E // BE,),
        in_specs=[
            pl.BlockSpec((BE, DF), lambda i: (i, 0)),
            pl.BlockSpec((BE, DE), lambda i: (i, 0)),
            pl.BlockSpec((DF, NH), lambda i: (0, 0)),
            pl.BlockSpec((DE, NH), lambda i: (0, 0)),
            pl.BlockSpec((1, NH), lambda i: (0, 0)),
            pl.BlockSpec((DF, NH), lambda i: (0, 0)),
            pl.BlockSpec((1, NH), lambda i: (0, 0)),
            pl.BlockSpec((NH, CS), lambda i: (0, 0)),
            pl.BlockSpec((1, CS), lambda i: (0, 0)),
            pl.BlockSpec((NH, 1), lambda i: (0, 0)),
            pl.BlockSpec((NH, 1), lambda i: (0, 0)),
            pl.BlockSpec((1, 1), lambda i: (0, 0)),
        ],
        out_specs=[
            pl.BlockSpec((BE, CS), lambda i: (i, 0)),
            pl.BlockSpec((BE, 16), lambda i: (i, 0)),
        ],
        out_shape=[
            jax.ShapeDtypeStruct((E2, CS), jnp.float32),
            jax.ShapeDtypeStruct((E2, 16), jnp.float32),
        ],
    )(NFsrc, edge_feats, wet, web, b_edge.reshape(1, NH),
      W_node, b_node.reshape(1, NH), W_msg, b_msg.reshape(1, CS),
      w1, w2, b_logit.reshape(1, 1))

    zrows = jnp.zeros((_LB, CS), jnp.float32)
    Sflat = pl.kernel(
            functools.partial(_sc_scatter_body, KB, NSH),
            out_type=jax.ShapeDtypeStruct((2 * NSH, CS), jnp.float32),
            mesh=mesh,
            scratch_types=[
                pltpu.VMEM((KB, _LB), jnp.int32),
                pltpu.VMEM((_LB, CS), jnp.float32),
                pltpu.VMEM((_LB, CS), jnp.float32),
                pltpu.VMEM_SHARED((NSH, CS), jnp.float32),
                pltpu.SemaphoreType.DMA,
                pltpu.SemaphoreType.DMA,
                pltpu.SemaphoreType.DMA,
            ],
    )(zrows, em, dst2d)
    S0 = Sflat[:N]
    S1 = Sflat[NSH:NSH + N]
    den = jax.ops.segment_sum(ex[:E, 0], dst, num_segments=N).reshape(N, 1)

    out = pl.pallas_call(
        _gru_body,
        grid=(N // BN,),
        in_specs=[
            pl.BlockSpec((BN, CS), lambda i: (i, 0)),
            pl.BlockSpec((BN, CS), lambda i: (i, 0)),
            pl.BlockSpec((BN, 1), lambda i: (i, 0)),
            pl.BlockSpec((BN, NH), lambda i: (i, 0)),
            pl.BlockSpec((CS, 3 * NH), lambda i: (0, 0)),
            pl.BlockSpec((1, 3 * NH), lambda i: (0, 0)),
            pl.BlockSpec((NH, 3 * NH), lambda i: (0, 0)),
            pl.BlockSpec((1, 3 * NH), lambda i: (0, 0)),
        ],
        out_specs=pl.BlockSpec((BN, NH), lambda i: (i, 0)),
        out_shape=jax.ShapeDtypeStruct((N, NH), jnp.float32),
            )(S0, S1, den, hv, W_ih.T, b_ih.reshape(1, 3 * NH), W_hh.T, b_hh.reshape(1, 3 * NH))

    return (out, edge_feats)

# --- scband reference (transcript-rebuilt; emitter-appended) ---
"""Pipeline reference for scband-damplayer-4930622456346 (READ-ONLY COPY).

The authoritative reference and input builder live on the scoring server;
editing this copy changes nothing except your own understanding.
"""

import jax, jax.numpy as jnp
import numpy as np

N = 10000
E = 320000
DF = 128
DE = 16
NH = 128
EH = 128
CS = 128


def leaky_relu(x):
    return jnp.where(x >= 0, x, 0.01 * x)


def elu(x):
    return jnp.where(x >= 0, x, jnp.expm1(x))


def setup_inputs(seed: int = 0) -> dict:
    key = jax.random.key(seed)
    ks = jax.random.split(key, 10)
    def lin(k, fan_in, shape):
        return (jax.random.uniform(k, shape, jnp.float32) * 2.0 - 1.0) / np.sqrt(fan_in)
    inp = {}
    inp["node_feats"] = jax.random.normal(ks[0], (N, DF), dtype=jnp.float32)
    inp["edge_feats"] = jax.random.normal(ks[1], (E, DE), dtype=jnp.float32)
    inp["edge_index"] = jax.random.randint(ks[2], (2, E), 0, N, dtype=jnp.int64 if jax.config.jax_enable_x64 else jnp.int32)
    inp["W_node"] = lin(ks[3], DF, (DF, NH)); inp["b_node"] = jnp.zeros((NH,), jnp.float32)
    inp["W_edge"] = lin(ks[4], DF + DE, (DF + DE, EH)); inp["b_edge"] = jnp.zeros((EH,), jnp.float32)
    inp["W_logit"] = lin(ks[5], NH + EH, (NH + EH, 1)); inp["b_logit"] = jnp.zeros((1,), jnp.float32)
    inp["W_msg"] = lin(ks[6], EH, (EH, CS)); inp["b_msg"] = jnp.zeros((CS,), jnp.float32)
    inp["W_ih"] = lin(ks[7], NH, (3 * NH, CS)); inp["b_ih"] = jnp.zeros((3 * NH,), jnp.float32)
    inp["W_hh"] = lin(ks[8], NH, (3 * NH, NH)); inp["b_hh"] = jnp.zeros((3 * NH,), jnp.float32)
    return inp


def reference(node_feats, edge_feats, edge_index, W_node, b_node, W_edge, b_edge,
              W_logit, b_logit, W_msg, b_msg, W_ih, b_ih, W_hh, b_hh):
    src = edge_index[0]
    dst = edge_index[1]
    # (1) embed node states
    h_v = leaky_relu(node_feats @ W_node + b_node)
    # (2) embed edge states: cat([src node feats, edge feats])
    cat1 = jnp.concatenate([jnp.take(node_feats, src, axis=0), edge_feats], axis=1)
    h_wv = leaky_relu(cat1 @ W_edge + b_edge)
    # raw messages (dropout=0 -> identity)
    m = h_wv @ W_msg + b_msg
    # (3) attention logits: cat([src node hidden, edge hidden])
    cat2 = jnp.concatenate([jnp.take(h_v, src, axis=0), h_wv], axis=1)
    logit = leaky_relu(cat2 @ W_logit + b_logit)
    # (4) edge softmax over incoming edges per destination node
    lmax = jax.ops.segment_max(logit, dst, num_segments=N)
    ex = jnp.exp(logit - jnp.take(lmax, dst, axis=0))
    den = jax.ops.segment_sum(ex, dst, num_segments=N)
    alpha = ex / jnp.take(den, dst, axis=0)
    # (5) context via attended scatter-add
    C = jax.ops.segment_sum(alpha * m, dst, num_segments=N)
    C = elu(C)
    # (6) GRU cell update: input=C, hidden=h_v
    gi = C @ W_ih.T + b_ih
    gh = h_v @ W_hh.T + b_hh
    i_r, i_z, i_n = jnp.split(gi, 3, axis=1)
    h_r, h_z, h_n = jnp.split(gh, 3, axis=1)
    r = jax.nn.sigmoid(i_r + h_r)
    z = jax.nn.sigmoid(i_z + h_z)
    n = jnp.tanh(i_n + r * h_n)
    h_new = (1.0 - z) * n + z * h_v
    out_node = jax.nn.relu(h_new)
    # update_edges=False -> return original edge feats
    return (out_node, edge_feats)

if __name__ == "__main__":
    import jax
    _d = setup_inputs()
    print(jax.jit(kernel)(*tuple(_d.values())))

</pallas_src>

<mosaic_0001>
#map = affine_map<(d0, d1) -> (0, 0)>
module attributes {stable_mosaic.version = 14 : i64} {
  func.func @_sc_gather_body(%arg0: i32, %arg1: i32, %arg2: memref<10000x128xf32, #tpu.memory_space<hbm>>, %arg3: memref<2560x128xi32, #tpu.memory_space<hbm>>, %arg4: memref<327680x128xf32, #tpu.memory_space<hbm>>, %arg5: memref<80x128xi32, #tpu.memory_space<vmem>>, %arg6: memref<128x128xf32, #tpu.memory_space<vmem>>, %arg7: memref<128x128xf32, #tpu.memory_space<vmem>>, %arg8: memref<!tpu.dma_semaphore, #tpu.memory_space<semaphore_mem>>, %arg9: memref<!tpu.dma_semaphore, #tpu.memory_space<semaphore_mem>>, %arg10: memref<!tpu.dma_semaphore, #tpu.memory_space<semaphore_mem>>, %arg11: memref<!tpu.dma_semaphore, #tpu.memory_space<semaphore_mem>>) attributes {dimension_semantics = [#tpu.dimension_semantics<core_parallel>, #tpu.dimension_semantics<subcore_parallel>], iteration_bounds = array<i64: 2, 16>, scalar_prefetch = 0 : i64, scratch_operands = 7 : i64, tpu.core_type = #tpu.core_type<sc_vector_subcore>, window_params = [{transform_indices = #map}, {transform_indices = #map}, {transform_indices = #map}]} {
    %mul3A = arith.constant 2 : i32
    %mul3A_0 = arith.muli %arg1, %mul3A : i32
    %add3A = arith.addi %mul3A_0, %arg0 : i32
    %mul3A_1 = arith.constant 80 : i32
    %mul3A_2 = arith.muli %add3A, %mul3A_1 : i32
    "tpu.region"() ({
      %run_scoped3A = tpu.sem_alloc : memref<!tpu.dma_semaphore, #tpu.memory_space<semaphore_mem>>
      %dma_start3A = arith.constant 0 : i32
      %dma_start3A_19 = tpu.memref_slice %arg3[%mul3A_2, %dma_start3A] : memref<2560x128xi32, #tpu.memory_space<hbm>> -> memref<80x128xi32, #tpu.memory_space<hbm>>
      %dma_start3A_20 = arith.constant 0 : i32
      %dma_start3A_21 = tpu.memref_slice %arg3[%mul3A_2, %dma_start3A_20] : memref<2560x128xi32, #tpu.memory_space<hbm>> -> memref<80x128xi32, #tpu.memory_space<hbm>>
      tpu.enqueue_dma source(%dma_start3A_21 : memref<80x128xi32, #tpu.memory_space<hbm>>) target(%arg5 : memref<80x128xi32, #tpu.memory_space<vmem>>) target_semaphore(%run_scoped3A : memref<!tpu.dma_semaphore, #tpu.memory_space<semaphore_mem>>)
      %dma_wait3A_22 = arith.constant 0 : i32
      %dma_wait3A_23 = tpu.memref_slice %arg3[%mul3A_2, %dma_wait3A_22] : memref<2560x128xi32, #tpu.memory_space<hbm>> -> memref<80x128xi32, #tpu.memory_space<hbm>>
      %dma_wait3A_24 = arith.constant 0 : i32
      %dma_wait3A_25 = tpu.memref_slice %arg3[%mul3A_2, %dma_wait3A_24] : memref<2560x128xi32, #tpu.memory_space<hbm>> -> memref<80x128xi32, #tpu.memory_space<hbm>>
      tpu.wait_dma2 semaphore(%run_scoped3A : memref<!tpu.dma_semaphore, #tpu.memory_space<semaphore_mem>>) src(%dma_wait3A_25 : memref<80x128xi32, #tpu.memory_space<hbm>>) dst(%arg5 : memref<80x128xi32, #tpu.memory_space<vmem>>)
      tpu.yield
    }) : () -> ()
    %scan3A = arith.constant 0 : i32
    %scan3A_3 = arith.constant 0 : i32
    %scan3A_4 = arith.constant 40 : i32
    %scan3A_5 = arith.addi %scan3A_3, %scan3A_4 : i32
    %scan3A_6 = arith.constant 1 : i32
    scf.for %scan3A_19 = %scan3A_3 to %scan3A_5 step %scan3A_6  : i32 {
      %mul3A_20 = arith.constant 2 : i32
      %mul3A_21 = arith.muli %mul3A_20, %scan3A_19 : i32
      %add3A_22 = arith.constant 0 : i32
      %add3A_23 = arith.addi %mul3A_21, %add3A_22 : i32
      %gt3A = arith.constant 0 : i32
      %gt3A_24 = arith.cmpi sgt, %scan3A_19, %gt3A : i32
      %convert_element_type3A = arith.extui %gt3A_24 : i1 to i32
      %cond3A = arith.constant 0 : i32
      %cond3A_25 = arith.cmpi ne, %convert_element_type3A, %cond3A : i32
      scf.if %cond3A_25 {
        %dma_wait3A_72 = arith.constant 0 : i32
        %dma_wait3A_73 = arith.constant 0 : i32
        %dma_wait3A_74 = tpu.memref_slice %arg4[%dma_wait3A_72, %dma_wait3A_73] : memref<327680x128xf32, #tpu.memory_space<hbm>> -> memref<128x128xf32, #tpu.memory_space<hbm>>
        %dma_wait3A_75 = arith.constant 0 : i32
        %dma_wait3A_76 = arith.constant 0 : i32
        %dma_wait3A_77 = tpu.memref_slice %arg4[%dma_wait3A_75, %dma_wait3A_76] : memref<327680x128xf32, #tpu.memory_space<hbm>> -> memref<128x128xf32, #tpu.memory_space<hbm>>
        tpu.wait_dma2 semaphore(%arg10 : memref<!tpu.dma_semaphore, #tpu.memory_space<semaphore_mem>>) src(%arg6 : memref<128x128xf32, #tpu.memory_space<vmem>>) dst(%dma_wait3A_77 : memref<128x128xf32, #tpu.memory_space<hbm>>)
      } else {
      }
      %dma_start3A = arith.constant 0 : i32
      %dma_start3A_26 = tpu.memref_slice %arg5[%add3A_23, %dma_start3A] : memref<80x128xi32, #tpu.memory_space<vmem>> -> memref<1x128xi32, #tpu.memory_space<vmem>>
      %dma_start3A_27 = tpu.memref_squeeze %dma_start3A_26 : memref<1x128xi32, #tpu.memory_space<vmem>> -> memref<128xi32, #tpu.memory_space<vmem>>
      %dma_start3A_28 = arith.constant 0 : i32
      %dma_start3A_29 = arith.constant 0 : i32
      %dma_start3A_30 = tpu.memref_slice %arg2[%dma_start3A_28, %dma_start3A_29] : memref<10000x128xf32, #tpu.memory_space<hbm>> -> memref<10000x128xf32, #tpu.memory_space<hbm>>
      tpu.enqueue_indirect_dma source(%dma_start3A_30 : memref<10000x128xf32, #tpu.memory_space<hbm>>) target(%arg6 : memref<128x128xf32, #tpu.memory_space<vmem>>) offsets(%dma_start3A_27 : memref<128xi32, #tpu.memory_space<vmem>>) semaphore(%arg8 : memref<!tpu.dma_semaphore, #tpu.memory_space<semaphore_mem>>)
      %dma_wait3A_31 = arith.constant 0 : i32
      %dma_wait3A_32 = tpu.memref_slice %arg5[%add3A_23, %dma_wait3A_31] : memref<80x128xi32, #tpu.memory_space<vmem>> -> memref<1x128xi32, #tpu.memory_space<vmem>>
      %dma_wait3A_33 = tpu.memref_squeeze %dma_wait3A_32 : memref<1x128xi32, #tpu.memory_space<vmem>> -> memref<128xi32, #tpu.memory_space<vmem>>
      %dma_wait3A_34 = arith.constant 0 : i32
      %dma_wait3A_35 = arith.constant 0 : i32
      %dma_wait3A_36 = tpu.memref_slice %arg2[%dma_wait3A_34, %dma_wait3A_35] : memref<10000x128xf32, #tpu.memory_space<hbm>> -> memref<10000x128xf32, #tpu.memory_space<hbm>>
      tpu.wait_indirect_dma semaphore(%arg8 : memref<!tpu.dma_semaphore, #tpu.memory_space<semaphore_mem>>) src(%dma_wait3A_36 : memref<10000x128xf32, #tpu.memory_space<hbm>>) dst(%arg6 : memref<128x128xf32, #tpu.memory_space<vmem>>)
      %add3A_37 = arith.addi %mul3A_2, %add3A_23 : i32
      %mul3A_38 = arith.constant 128 : i32
      %mul3A_39 = arith.muli %add3A_37, %mul3A_38 : i32
      %dma_start3A_40 = arith.constant 0 : i32
      %dma_start3A_41 = tpu.memref_slice %arg4[%mul3A_39, %dma_start3A_40] : memref<327680x128xf32, #tpu.memory_space<hbm>> -> memref<128x128xf32, #tpu.memory_space<hbm>>
      %dma_start3A_42 = arith.constant 0 : i32
      %dma_start3A_43 = tpu.memref_slice %arg4[%mul3A_39, %dma_start3A_42] : memref<327680x128xf32, #tpu.memory_space<hbm>> -> memref<128x128xf32, #tpu.memory_space<hbm>>
      tpu.enqueue_dma source(%arg6 : memref<128x128xf32, #tpu.memory_space<vmem>>) target(%dma_start3A_43 : memref<128x128xf32, #tpu.memory_space<hbm>>) target_semaphore(%arg10 : memref<!tpu.dma_semaphore, #tpu.memory_space<semaphore_mem>>)
      %mul3A_44 = arith.constant 2 : i32
      %mul3A_45 = arith.muli %mul3A_44, %scan3A_19 : i32
      %add3A_46 = arith.constant 1 : i32
      %add3A_47 = arith.addi %mul3A_45, %add3A_46 : i32
      %gt3A_48 = arith.constant 0 : i32
      %gt3A_49 = arith.cmpi sgt, %scan3A_19, %gt3A_48 : i32
      %convert_element_type3A_50 = arith.extui %gt3A_49 : i1 to i32
      %cond3A_51 = arith.constant 0 : i32
      %cond3A_52 = arith.cmpi ne, %convert_element_type3A_50, %cond3A_51 : i32
      scf.if %cond3A_52 {
        %dma_wait3A_72 = arith.constant 0 : i32
        %dma_wait3A_73 = arith.constant 0 : i32
        %dma_wait3A_74 = tpu.memref_slice %arg4[%dma_wait3A_72, %dma_wait3A_73] : memref<327680x128xf32, #tpu.memory_space<hbm>> -> memref<128x128xf32, #tpu.memory_space<hbm>>
        %dma_wait3A_75 = arith.constant 0 : i32
        %dma_wait3A_76 = arith.constant 0 : i32
        %dma_wait3A_77 = tpu.memref_slice %arg4[%dma_wait3A_75, %dma_wait3A_76] : memref<327680x128xf32, #tpu.memory_space<hbm>> -> memref<128x128xf32, #tpu.memory_space<hbm>>
        tpu.wait_dma2 semaphore(%arg11 : memref<!tpu.dma_semaphore, #tpu.memory_space<semaphore_mem>>) src(%arg7 : memref<128x128xf32, #tpu.memory_space<vmem>>) dst(%dma_wait3A_77 : memref<128x128xf32, #tpu.memory_space<hbm>>)
      } else {
      }
      %dma_start3A_53 = arith.constant 0 : i32
      %dma_start3A_54 = tpu.memref_slice %arg5[%add3A_47, %dma_start3A_53] : memref<80x128xi32, #tpu.memory_space<vmem>> -> memref<1x128xi32, #tpu.memory_space<vmem>>
      %dma_start3A_55 = tpu.memref_squeeze %dma_start3A_54 : memref<1x128xi32, #tpu.memory_space<vmem>> -> memref<128xi32, #tpu.memory_space<vmem>>
      %dma_start3A_56 = arith.constant 0 : i32
      %dma_start3A_57 = arith.constant 0 : i32
      %dma_start3A_58 = tpu.memref_slice %arg2[%dma_start3A_56, %dma_start3A_57] : memref<10000x128xf32, #tpu.memory_space<hbm>> -> memref<10000x128xf32, #tpu.memory_space<hbm>>
      tpu.enqueue_indirect_dma source(%dma_start3A_58 : memref<10000x128xf32, #tpu.memory_space<hbm>>) target(%arg7 : memref<128x128xf32, #tpu.memory_space<vmem>>) offsets(%dma_start3A_55 : memref<128xi32, #tpu.memory_space<vmem>>) semaphore(%arg9 : memref<!tpu.dma_semaphore, #tpu.memory_space<semaphore_mem>>)
      %dma_wait3A_59 = arith.constant 0 : i32
      %dma_wait3A_60 = tpu.memref_slice %arg5[%add3A_47, %dma_wait3A_59] : memref<80x128xi32, #tpu.memory_space<vmem>> -> memref<1x128xi32, #tpu.memory_space<vmem>>
      %dma_wait3A_61 = tpu.memref_squeeze %dma_wait3A_60 : memref<1x128xi32, #tpu.memory_space<vmem>> -> memref<128xi32, #tpu.memory_space<vmem>>
      %dma_wait3A_62 = arith.constant 0 : i32
      %dma_wait3A_63 = arith.constant 0 : i32
      %dma_wait3A_64 = tpu.memref_slice %arg2[%dma_wait3A_62, %dma_wait3A_63] : memref<10000x128xf32, #tpu.memory_space<hbm>> -> memref<10000x128xf32, #tpu.memory_space<hbm>>
      tpu.wait_indirect_dma semaphore(%arg9 : memref<!tpu.dma_semaphore, #tpu.memory_space<semaphore_mem>>) src(%dma_wait3A_64 : memref<10000x128xf32, #tpu.memory_space<hbm>>) dst(%arg7 : memref<128x128xf32, #tpu.memory_space<vmem>>)
      %add3A_65 = arith.addi %mul3A_2, %add3A_47 : i32
      %mul3A_66 = arith.constant 128 : i32
      %mul3A_67 = arith.muli %add3A_65, %mul3A_66 : i32
      %dma_start3A_68 = arith.constant 0 : i32
      %dma_start3A_69 = tpu.memref_slice %arg4[%mul3A_67, %dma_start3A_68] : memref<327680x128xf32, #tpu.memory_space<hbm>> -> memref<128x128xf32, #tpu.memory_space<hbm>>
      %dma_start3A_70 = arith.constant 0 : i32
      %dma_start3A_71 = tpu.memref_slice %arg4[%mul3A_67, %dma_start3A_70] : memref<327680x128xf32, #tpu.memory_space<hbm>> -> memref<128x128xf32, #tpu.memory_space<hbm>>
      tpu.enqueue_dma source(%arg7 : memref<128x128xf32, #tpu.memory_space<vmem>>) target(%dma_start3A_71 : memref<128x128xf32, #tpu.memory_space<hbm>>) target_semaphore(%arg11 : memref<!tpu.dma_semaphore, #tpu.memory_space<semaphore_mem>>)
    }
    %scan3A_7 = arith.constant 40 : i32
    %dma_wait3A = arith.constant 0 : i32
    %dma_wait3A_8 = arith.constant 0 : i32
    %dma_wait3A_9 = tpu.memref_slice %arg4[%dma_wait3A, %dma_wait3A_8] : memref<327680x128xf32, #tpu.memory_space<hbm>> -> memref<128x128xf32, #tpu.memory_space<hbm>>
    %dma_wait3A_10 = arith.constant 0 : i32
    %dma_wait3A_11 = arith.constant 0 : i32
    %dma_wait3A_12 = tpu.memref_slice %arg4[%dma_wait3A_10, %dma_wait3A_11] : memref<327680x128xf32, #tpu.memory_space<hbm>> -> memref<128x128xf32, #tpu.memory_space<hbm>>
    tpu.wait_dma2 semaphore(%arg10 : memref<!tpu.dma_semaphore, #tpu.memory_space<semaphore_mem>>) src(%arg6 : memref<128x128xf32, #tpu.memory_space<vmem>>) dst(%dma_wait3A_12 : memref<128x128xf32, #tpu.memory_space<hbm>>)
    %dma_wait3A_13 = arith.constant 0 : i32
    %dma_wait3A_14 = arith.constant 0 : i32
    %dma_wait3A_15 = tpu.memref_slice %arg4[%dma_wait3A_13, %dma_wait3A_14] : memref<327680x128xf32, #tpu.memory_space<hbm>> -> memref<128x128xf32, #tpu.memory_space<hbm>>
    %dma_wait3A_16 = arith.constant 0 : i32
    %dma_wait3A_17 = arith.constant 0 : i32
    %dma_wait3A_18 = tpu.memref_slice %arg4[%dma_wait3A_16, %dma_wait3A_17] : memref<327680x128xf32, #tpu.memory_space<hbm>> -> memref<128x128xf32, #tpu.memory_space<hbm>>
    tpu.wait_dma2 semaphore(%arg11 : memref<!tpu.dma_semaphore, #tpu.memory_space<semaphore_mem>>) src(%arg7 : memref<128x128xf32, #tpu.memory_space<vmem>>) dst(%dma_wait3A_18 : memref<128x128xf32, #tpu.memory_space<hbm>>)
    return
  }
}

#map = affine_map<(d0, d1) -> (0, 0)>
module attributes {stable_mosaic.version = 14 : i64} {
  func.func @_sc_scatter_body(%arg0: i32, %arg1: i32, %arg2: memref<128x128xf32, #tpu.memory_space<hbm>>, %arg3: memref<327680x128xf32, #tpu.memory_space<hbm>>, %arg4: memref<2560x128xi32, #tpu.memory_space<hbm>>, %arg5: memref<20224x128xf32, #tpu.memory_space<hbm>>, %arg6: memref<80x128xi32, #tpu.memory_space<vmem>>, %arg7: memref<128x128xf32, #tpu.memory_space<vmem>>, %arg8: memref<128x128xf32, #tpu.memory_space<vmem>>, %arg9: memref<10112x128xf32, #tpu.memory_space<vmem_shared>>, %arg10: memref<!tpu.dma_semaphore, #tpu.memory_space<semaphore_mem>>, %arg11: memref<!tpu.dma_semaphore, #tpu.memory_space<semaphore_mem>>, %arg12: memref<!tpu.dma_semaphore, #tpu.memory_space<semaphore_mem>>) attributes {dimension_semantics = [#tpu.dimension_semantics<core_parallel>, #tpu.dimension_semantics<subcore_parallel>], iteration_bounds = array<i64: 2, 16>, scalar_prefetch = 0 : i64, scratch_operands = 7 : i64, tpu.core_type = #tpu.core_type<sc_vector_subcore>, window_params = [{transform_indices = #map}, {transform_indices = #map}, {transform_indices = #map}, {transform_indices = #map}]} {
    %mul3A = arith.constant 2 : i32
    %mul3A_0 = arith.muli %arg1, %mul3A : i32
    %add3A = arith.addi %mul3A_0, %arg0 : i32
    %mul3A_1 = arith.constant 632 : i32
    %mul3A_2 = arith.muli %arg1, %mul3A_1 : i32
    "tpu.region"() ({
      %run_scoped3A = tpu.sem_alloc : memref<!tpu.dma_semaphore, #tpu.memory_space<semaphore_mem>>
      tpu.enqueue_dma source(%arg2 : memref<128x128xf32, #tpu.memory_space<hbm>>) target(%arg7 : memref<128x128xf32, #tpu.memory_space<vmem>>) target_semaphore(%run_scoped3A : memref<!tpu.dma_semaphore, #tpu.memory_space<semaphore_mem>>)
      tpu.wait_dma2 semaphore(%run_scoped3A : memref<!tpu.dma_semaphore, #tpu.memory_space<semaphore_mem>>) src(%arg2 : memref<128x128xf32, #tpu.memory_space<hbm>>) dst(%arg7 : memref<128x128xf32, #tpu.memory_space<vmem>>)
      tpu.yield
    }) : () -> ()
    %scan3A = arith.constant 0 : i32
    %scan3A_3 = arith.constant 0 : i32
    %scan3A_4 = arith.constant 79 : i32
    %scan3A_5 = arith.addi %scan3A_3, %scan3A_4 : i32
    %scan3A_6 = arith.constant 1 : i32
    scf.for %scan3A_27 = %scan3A_3 to %scan3A_5 step %scan3A_6  : i32 {
      %mul3A_28 = arith.constant 8 : i32
      %mul3A_29 = arith.muli %scan3A_27, %mul3A_28 : i32
      %add3A_30 = arith.addi %mul3A_2, %mul3A_29 : i32
      "tpu.region"() ({
        %run_scoped3A = tpu.sem_alloc : memref<!tpu.dma_semaphore, #tpu.memory_space<semaphore_mem>>
        %dma_start3A = arith.constant 0 : i32
        %dma_start3A_31 = arith.constant 0 : i32
        %dma_start3A_32 = tpu.memref_slice %arg7[%dma_start3A, %dma_start3A_31] : memref<128x128xf32, #tpu.memory_space<vmem>> -> memref<8x128xf32, #tpu.memory_space<vmem>>
        %dma_start3A_33 = arith.constant 0 : i32
        %dma_start3A_34 = tpu.memref_slice %arg9[%add3A_30, %dma_start3A_33] : memref<10112x128xf32, #tpu.memory_space<vmem_shared>> -> memref<8x128xf32, #tpu.memory_space<vmem_shared>>
        %dma_start3A_35 = arith.constant 0 : i32
        %dma_start3A_36 = tpu.memref_slice %arg9[%add3A_30, %dma_start3A_35] : memref<10112x128xf32, #tpu.memory_space<vmem_shared>> -> memref<8x128xf32, #tpu.memory_space<vmem_shared>>
        %dma_start3A_37 = arith.constant 0 : i32
        %dma_start3A_38 = arith.constant 0 : i32
        %dma_start3A_39 = tpu.memref_slice %arg7[%dma_start3A_37, %dma_start3A_38] : memref<128x128xf32, #tpu.memory_space<vmem>> -> memref<8x128xf32, #tpu.memory_space<vmem>>
        tpu.enqueue_dma source(%dma_start3A_39 : memref<8x128xf32, #tpu.memory_space<vmem>>) target(%dma_start3A_36 : memref<8x128xf32, #tpu.memory_space<vmem_shared>>) target_semaphore(%run_scoped3A : memref<!tpu.dma_semaphore, #tpu.memory_space<semaphore_mem>>)
        %dma_wait3A = arith.constant 0 : i32
        %dma_wait3A_40 = arith.constant 0 : i32
        %dma_wait3A_41 = tpu.memref_slice %arg7[%dma_wait3A, %dma_wait3A_40] : memref<128x128xf32, #tpu.memory_space<vmem>> -> memref<8x128xf32, #tpu.memory_space<vmem>>
        %dma_wait3A_42 = arith.constant 0 : i32
        %dma_wait3A_43 = tpu.memref_slice %arg9[%add3A_30, %dma_wait3A_42] : memref<10112x128xf32, #tpu.memory_space<vmem_shared>> -> memref<8x128xf32, #tpu.memory_space<vmem_shared>>
        %dma_wait3A_44 = arith.constant 0 : i32
        %dma_wait3A_45 = tpu.memref_slice %arg9[%add3A_30, %dma_wait3A_44] : memref<10112x128xf32, #tpu.memory_space<vmem_shared>> -> memref<8x128xf32, #tpu.memory_space<vmem_shared>>
        %dma_wait3A_46 = arith.constant 0 : i32
        %dma_wait3A_47 = arith.constant 0 : i32
        %dma_wait3A_48 = tpu.memref_slice %arg7[%dma_wait3A_46, %dma_wait3A_47] : memref<128x128xf32, #tpu.memory_space<vmem>> -> memref<8x128xf32, #tpu.memory_space<vmem>>
        tpu.wait_dma2 semaphore(%run_scoped3A : memref<!tpu.dma_semaphore, #tpu.memory_space<semaphore_mem>>) src(%dma_wait3A_48 : memref<8x128xf32, #tpu.memory_space<vmem>>) dst(%dma_wait3A_45 : memref<8x128xf32, #tpu.memory_space<vmem_shared>>)
        tpu.yield
      }) : () -> ()
    }
    %scan3A_7 = arith.constant 79 : i32
    %barrier3A = arith.constant 0 : index
    tpu.barrier barrier_id(%barrier3A)
    %mul3A_8 = arith.constant 80 : i32
    %mul3A_9 = arith.muli %add3A, %mul3A_8 : i32
    "tpu.region"() ({
      %run_scoped3A = tpu.sem_alloc : memref<!tpu.dma_semaphore, #tpu.memory_space<semaphore_mem>>
      %dma_start3A = arith.constant 0 : i32
      %dma_start3A_27 = tpu.memref_slice %arg4[%mul3A_9, %dma_start3A] : memref<2560x128xi32, #tpu.memory_space<hbm>> -> memref<80x128xi32, #tpu.memory_space<hbm>>
      %dma_start3A_28 = arith.constant 0 : i32
      %dma_start3A_29 = tpu.memref_slice %arg4[%mul3A_9, %dma_start3A_28] : memref<2560x128xi32, #tpu.memory_space<hbm>> -> memref<80x128xi32, #tpu.memory_space<hbm>>
      tpu.enqueue_dma source(%dma_start3A_29 : memref<80x128xi32, #tpu.memory_space<hbm>>) target(%arg6 : memref<80x128xi32, #tpu.memory_space<vmem>>) target_semaphore(%run_scoped3A : memref<!tpu.dma_semaphore, #tpu.memory_space<semaphore_mem>>)
      %dma_wait3A = arith.constant 0 : i32
      %dma_wait3A_30 = tpu.memref_slice %arg4[%mul3A_9, %dma_wait3A] : memref<2560x128xi32, #tpu.memory_space<hbm>> -> memref<80x128xi32, #tpu.memory_space<hbm>>
      %dma_wait3A_31 = arith.constant 0 : i32
      %dma_wait3A_32 = tpu.memref_slice %arg4[%mul3A_9, %dma_wait3A_31] : memref<2560x128xi32, #tpu.memory_space<hbm>> -> memref<80x128xi32, #tpu.memory_space<hbm>>
      tpu.wait_dma2 semaphore(%run_scoped3A : memref<!tpu.dma_semaphore, #tpu.memory_space<semaphore_mem>>) src(%dma_wait3A_32 : memref<80x128xi32, #tpu.memory_space<hbm>>) dst(%arg6 : memref<80x128xi32, #tpu.memory_space<vmem>>)
      tpu.yield
    }) : () -> ()
    %mul3A_10 = arith.constant 80 : i32
    %mul3A_11 = arith.muli %add3A, %mul3A_10 : i32
    %mul3A_12 = arith.constant 128 : i32
    %mul3A_13 = arith.muli %mul3A_11, %mul3A_12 : i32
    "tpu.region"() ({
      %run_scoped3A = tpu.sem_alloc : memref<!tpu.dma_semaphore, #tpu.memory_space<semaphore_mem>>
      %dma_start3A = arith.constant 0 : i32
      %dma_start3A_27 = tpu.memref_slice %arg3[%mul3A_13, %dma_start3A] : memref<327680x128xf32, #tpu.memory_space<hbm>> -> memref<128x128xf32, #tpu.memory_space<hbm>>
      %dma_start3A_28 = arith.constant 0 : i32
      %dma_start3A_29 = tpu.memref_slice %arg3[%mul3A_13, %dma_start3A_28] : memref<327680x128xf32, #tpu.memory_space<hbm>> -> memref<128x128xf32, #tpu.memory_space<hbm>>
      tpu.enqueue_dma source(%dma_start3A_29 : memref<128x128xf32, #tpu.memory_space<hbm>>) target(%arg7 : memref<128x128xf32, #tpu.memory_space<vmem>>) target_semaphore(%run_scoped3A : memref<!tpu.dma_semaphore, #tpu.memory_space<semaphore_mem>>)
      %dma_wait3A = arith.constant 0 : i32
      %dma_wait3A_30 = tpu.memref_slice %arg3[%mul3A_13, %dma_wait3A] : memref<327680x128xf32, #tpu.memory_space<hbm>> -> memref<128x128xf32, #tpu.memory_space<hbm>>
      %dma_wait3A_31 = arith.constant 0 : i32
      %dma_wait3A_32 = tpu.memref_slice %arg3[%mul3A_13, %dma_wait3A_31] : memref<327680x128xf32, #tpu.memory_space<hbm>> -> memref<128x128xf32, #tpu.memory_space<hbm>>
      tpu.wait_dma2 semaphore(%run_scoped3A : memref<!tpu.dma_semaphore, #tpu.memory_space<semaphore_mem>>) src(%dma_wait3A_32 : memref<128x128xf32, #tpu.memory_space<hbm>>) dst(%arg7 : memref<128x128xf32, #tpu.memory_space<vmem>>)
      tpu.yield
    }) : () -> ()
    %scan3A_14 = arith.constant 0 : i32
    %scan3A_15 = arith.constant 0 : i32
    %scan3A_16 = arith.constant 40 : i32
    %scan3A_17 = arith.addi %scan3A_15, %scan3A_16 : i32
    %scan3A_18 = arith.constant 1 : i32
    scf.for %scan3A_27 = %scan3A_15 to %scan3A_17 step %scan3A_18  : i32 {
      %mul3A_28 = arith.constant 2 : i32
      %mul3A_29 = arith.muli %mul3A_28, %scan3A_27 : i32
      %mul3A_30 = arith.constant 80 : i32
      %mul3A_31 = arith.muli %add3A, %mul3A_30 : i32
      %add3A_32 = arith.addi %mul3A_31, %mul3A_29 : i32
      %add3A_33 = arith.constant 1 : i32
      %add3A_34 = arith.addi %add3A_32, %add3A_33 : i32
      %mul3A_35 = arith.constant 128 : i32
      %mul3A_36 = arith.muli %add3A_34, %mul3A_35 : i32
      %dma_start3A = arith.constant 0 : i32
      %dma_start3A_37 = tpu.memref_slice %arg3[%mul3A_36, %dma_start3A] : memref<327680x128xf32, #tpu.memory_space<hbm>> -> memref<128x128xf32, #tpu.memory_space<hbm>>
      %dma_start3A_38 = arith.constant 0 : i32
      %dma_start3A_39 = tpu.memref_slice %arg3[%mul3A_36, %dma_start3A_38] : memref<327680x128xf32, #tpu.memory_space<hbm>> -> memref<128x128xf32, #tpu.memory_space<hbm>>
      tpu.enqueue_dma source(%dma_start3A_39 : memref<128x128xf32, #tpu.memory_space<hbm>>) target(%arg8 : memref<128x128xf32, #tpu.memory_space<vmem>>) target_semaphore(%arg11 : memref<!tpu.dma_semaphore, #tpu.memory_space<semaphore_mem>>)
      "tpu.region"() ({
        %run_scoped3A = tpu.sem_alloc : memref<!tpu.dma_semaphore, #tpu.memory_space<semaphore_mem>>
        %dma_start3A_56 = arith.constant 0 : i32
        %dma_start3A_57 = tpu.memref_slice %arg6[%mul3A_29, %dma_start3A_56] : memref<80x128xi32, #tpu.memory_space<vmem>> -> memref<1x128xi32, #tpu.memory_space<vmem>>
        %dma_start3A_58 = tpu.memref_squeeze %dma_start3A_57 : memref<1x128xi32, #tpu.memory_space<vmem>> -> memref<128xi32, #tpu.memory_space<vmem>>
        %dma_start3A_59 = arith.constant 0 : i32
        %dma_start3A_60 = arith.constant 0 : i32
        %dma_start3A_61 = tpu.memref_slice %arg9[%dma_start3A_59, %dma_start3A_60] : memref<10112x128xf32, #tpu.memory_space<vmem_shared>> -> memref<10112x128xf32, #tpu.memory_space<vmem_shared>>
        tpu.enqueue_indirect_dma source(%arg7 : memref<128x128xf32, #tpu.memory_space<vmem>>) target(%dma_start3A_61 : memref<10112x128xf32, #tpu.memory_space<vmem_shared>>) offsets(%dma_start3A_58 : memref<128xi32, #tpu.memory_space<vmem>>) semaphore(%run_scoped3A : memref<!tpu.dma_semaphore, #tpu.memory_space<semaphore_mem>>) {add = true}
        %dma_wait3A_62 = arith.constant 0 : i32
        %dma_wait3A_63 = tpu.memref_slice %arg6[%mul3A_29, %dma_wait3A_62] : memref<80x128xi32, #tpu.memory_space<vmem>> -> memref<1x128xi32, #tpu.memory_space<vmem>>
        %dma_wait3A_64 = tpu.memref_squeeze %dma_wait3A_63 : memref<1x128xi32, #tpu.memory_space<vmem>> -> memref<128xi32, #tpu.memory_space<vmem>>
        %dma_wait3A_65 = arith.constant 0 : i32
        %dma_wait3A_66 = arith.constant 0 : i32
        %dma_wait3A_67 = tpu.memref_slice %arg9[%dma_wait3A_65, %dma_wait3A_66] : memref<10112x128xf32, #tpu.memory_space<vmem_shared>> -> memref<10112x128xf32, #tpu.memory_space<vmem_shared>>
        tpu.wait_indirect_dma semaphore(%run_scoped3A : memref<!tpu.dma_semaphore, #tpu.memory_space<semaphore_mem>>) src(%arg7 : memref<128x128xf32, #tpu.memory_space<vmem>>) dst(%dma_wait3A_67 : memref<10112x128xf32, #tpu.memory_space<vmem_shared>>)
        tpu.yield
      }) : () -> ()
      %dma_wait3A = arith.constant 0 : i32
      %dma_wait3A_40 = tpu.memref_slice %arg3[%mul3A_36, %dma_wait3A] : memref<327680x128xf32, #tpu.memory_space<hbm>> -> memref<128x128xf32, #tpu.memory_space<hbm>>
      %dma_wait3A_41 = arith.constant 0 : i32
      %dma_wait3A_42 = tpu.memref_slice %arg3[%mul3A_36, %dma_wait3A_41] : memref<327680x128xf32, #tpu.memory_space<hbm>> -> memref<128x128xf32, #tpu.memory_space<hbm>>
      tpu.wait_dma2 semaphore(%arg11 : memref<!tpu.dma_semaphore, #tpu.memory_space<semaphore_mem>>) src(%dma_wait3A_42 : memref<128x128xf32, #tpu.memory_space<hbm>>) dst(%arg8 : memref<128x128xf32, #tpu.memory_space<vmem>>)
      %add3A_43 = arith.constant 2 : i32
      %add3A_44 = arith.addi %mul3A_29, %add3A_43 : i32
      %lt3A = arith.constant 80 : i32
      %lt3A_45 = arith.cmpi slt, %add3A_44, %lt3A : i32
      %convert_element_type3A = arith.extui %lt3A_45 : i1 to i32
      %cond3A = arith.constant 0 : i32
      %cond3A_46 = arith.cmpi ne, %convert_element_type3A, %cond3A : i32
      scf.if %cond3A_46 {
        %mul3A_56 = arith.constant 80 : i32
        %mul3A_57 = arith.muli %add3A, %mul3A_56 : i32
        %add3A_58 = arith.addi %mul3A_57, %mul3A_29 : i32
        %add3A_59 = arith.constant 2 : i32
        %add3A_60 = arith.addi %add3A_58, %add3A_59 : i32
        %mul3A_61 = arith.constant 128 : i32
        %mul3A_62 = arith.muli %add3A_60, %mul3A_61 : i32
        %dma_start3A_63 = arith.constant 0 : i32
        %dma_start3A_64 = tpu.memref_slice %arg3[%mul3A_62, %dma_start3A_63] : memref<327680x128xf32, #tpu.memory_space<hbm>> -> memref<128x128xf32, #tpu.memory_space<hbm>>
        %dma_start3A_65 = arith.constant 0 : i32
        %dma_start3A_66 = tpu.memref_slice %arg3[%mul3A_62, %dma_start3A_65] : memref<327680x128xf32, #tpu.memory_space<hbm>> -> memref<128x128xf32, #tpu.memory_space<hbm>>
        tpu.enqueue_dma source(%dma_start3A_66 : memref<128x128xf32, #tpu.memory_space<hbm>>) target(%arg7 : memref<128x128xf32, #tpu.memory_space<vmem>>) target_semaphore(%arg12 : memref<!tpu.dma_semaphore, #tpu.memory_space<semaphore_mem>>)
      } else {
      }
      %add3A_47 = arith.constant 1 : i32
      %add3A_48 = arith.addi %mul3A_29, %add3A_47 : i32
      "tpu.region"() ({
        %run_scoped3A = tpu.sem_alloc : memref<!tpu.dma_semaphore, #tpu.memory_space<semaphore_mem>>
        %dma_start3A_56 = arith.constant 0 : i32
        %dma_start3A_57 = tpu.memref_slice %arg6[%add3A_48, %dma_start3A_56] : memref<80x128xi32, #tpu.memory_space<vmem>> -> memref<1x128xi32, #tpu.memory_space<vmem>>
        %dma_start3A_58 = tpu.memref_squeeze %dma_start3A_57 : memref<1x128xi32, #tpu.memory_space<vmem>> -> memref<128xi32, #tpu.memory_space<vmem>>
        %dma_start3A_59 = arith.constant 0 : i32
        %dma_start3A_60 = arith.constant 0 : i32
        %dma_start3A_61 = tpu.memref_slice %arg9[%dma_start3A_59, %dma_start3A_60] : memref<10112x128xf32, #tpu.memory_space<vmem_shared>> -> memref<10112x128xf32, #tpu.memory_space<vmem_shared>>
        tpu.enqueue_indirect_dma source(%arg8 : memref<128x128xf32, #tpu.memory_space<vmem>>) target(%dma_start3A_61 : memref<10112x128xf32, #tpu.memory_space<vmem_shared>>) offsets(%dma_start3A_58 : memref<128xi32, #tpu.memory_space<vmem>>) semaphore(%run_scoped3A : memref<!tpu.dma_semaphore, #tpu.memory_space<semaphore_mem>>) {add = true}
        %dma_wait3A_62 = arith.constant 0 : i32
        %dma_wait3A_63 = tpu.memref_slice %arg6[%add3A_48, %dma_wait3A_62] : memref<80x128xi32, #tpu.memory_space<vmem>> -> memref<1x128xi32, #tpu.memory_space<vmem>>
        %dma_wait3A_64 = tpu.memref_squeeze %dma_wait3A_63 : memref<1x128xi32, #tpu.memory_space<vmem>> -> memref<128xi32, #tpu.memory_space<vmem>>
        %dma_wait3A_65 = arith.constant 0 : i32
        %dma_wait3A_66 = arith.constant 0 : i32
        %dma_wait3A_67 = tpu.memref_slice %arg9[%dma_wait3A_65, %dma_wait3A_66] : memref<10112x128xf32, #tpu.memory_space<vmem_shared>> -> memref<10112x128xf32, #tpu.memory_space<vmem_shared>>
        tpu.wait_indirect_dma semaphore(%run_scoped3A : memref<!tpu.dma_semaphore, #tpu.memory_space<semaphore_mem>>) src(%arg8 : memref<128x128xf32, #tpu.memory_space<vmem>>) dst(%dma_wait3A_67 : memref<10112x128xf32, #tpu.memory_space<vmem_shared>>)
        tpu.yield
      }) : () -> ()
      %add3A_49 = arith.constant 2 : i32
      %add3A_50 = arith.addi %mul3A_29, %add3A_49 : i32
      %lt3A_51 = arith.constant 80 : i32
      %lt3A_52 = arith.cmpi slt, %add3A_50, %lt3A_51 : i32
      %convert_element_type3A_53 = arith.extui %lt3A_52 : i1 to i32
      %cond3A_54 = arith.constant 0 : i32
      %cond3A_55 = arith.cmpi ne, %convert_element_type3A_53, %cond3A_54 : i32
      scf.if %cond3A_55 {
        %dma_wait3A_56 = arith.constant 0 : i32
        %dma_wait3A_57 = arith.constant 0 : i32
        %dma_wait3A_58 = tpu.memref_slice %arg3[%dma_wait3A_56, %dma_wait3A_57] : memref<327680x128xf32, #tpu.memory_space<hbm>> -> memref<128x128xf32, #tpu.memory_space<hbm>>
        %dma_wait3A_59 = arith.constant 0 : i32
        %dma_wait3A_60 = arith.constant 0 : i32
        %dma_wait3A_61 = tpu.memref_slice %arg3[%dma_wait3A_59, %dma_wait3A_60] : memref<327680x128xf32, #tpu.memory_space<hbm>> -> memref<128x128xf32, #tpu.memory_space<hbm>>
        tpu.wait_dma2 semaphore(%arg12 : memref<!tpu.dma_semaphore, #tpu.memory_space<semaphore_mem>>) src(%dma_wait3A_61 : memref<128x128xf32, #tpu.memory_space<hbm>>) dst(%arg7 : memref<128x128xf32, #tpu.memory_space<vmem>>)
      } else {
      }
    }
    %scan3A_19 = arith.constant 40 : i32
    %barrier3A_20 = arith.constant 0 : index
    tpu.barrier barrier_id(%barrier3A_20)
    %scan3A_21 = arith.constant 0 : i32
    %scan3A_22 = arith.constant 0 : i32
    %scan3A_23 = arith.constant 79 : i32
    %scan3A_24 = arith.addi %scan3A_22, %scan3A_23 : i32
    %scan3A_25 = arith.constant 1 : i32
    scf.for %scan3A_27 = %scan3A_22 to %scan3A_24 step %scan3A_25  : i32 {
      %mul3A_28 = arith.constant 8 : i32
      %mul3A_29 = arith.muli %scan3A_27, %mul3A_28 : i32
      %add3A_30 = arith.addi %mul3A_2, %mul3A_29 : i32
      "tpu.region"() ({
        %run_scoped3A = tpu.sem_alloc : memref<!tpu.dma_semaphore, #tpu.memory_space<semaphore_mem>>
        %dma_start3A = arith.constant 0 : i32
        %dma_start3A_37 = arith.constant 0 : i32
        %dma_start3A_38 = tpu.memref_slice %arg7[%dma_start3A, %dma_start3A_37] : memref<128x128xf32, #tpu.memory_space<vmem>> -> memref<8x128xf32, #tpu.memory_space<vmem>>
        %dma_start3A_39 = arith.constant 0 : i32
        %dma_start3A_40 = tpu.memref_slice %arg9[%add3A_30, %dma_start3A_39] : memref<10112x128xf32, #tpu.memory_space<vmem_shared>> -> memref<8x128xf32, #tpu.memory_space<vmem_shared>>
        %dma_start3A_41 = arith.constant 0 : i32
        %dma_start3A_42 = arith.constant 0 : i32
        %dma_start3A_43 = tpu.memref_slice %arg7[%dma_start3A_41, %dma_start3A_42] : memref<128x128xf32, #tpu.memory_space<vmem>> -> memref<8x128xf32, #tpu.memory_space<vmem>>
        %dma_start3A_44 = arith.constant 0 : i32
        %dma_start3A_45 = tpu.memref_slice %arg9[%add3A_30, %dma_start3A_44] : memref<10112x128xf32, #tpu.memory_space<vmem_shared>> -> memref<8x128xf32, #tpu.memory_space<vmem_shared>>
        tpu.enqueue_dma source(%dma_start3A_45 : memref<8x128xf32, #tpu.memory_space<vmem_shared>>) target(%dma_start3A_43 : memref<8x128xf32, #tpu.memory_space<vmem>>) target_semaphore(%run_scoped3A : memref<!tpu.dma_semaphore, #tpu.memory_space<semaphore_mem>>)
        %dma_wait3A = arith.constant 0 : i32
        %dma_wait3A_46 = arith.constant 0 : i32
        %dma_wait3A_47 = tpu.memref_slice %arg7[%dma_wait3A, %dma_wait3A_46] : memref<128x128xf32, #tpu.memory_space<vmem>> -> memref<8x128xf32, #tpu.memory_space<vmem>>
        %dma_wait3A_48 = arith.constant 0 : i32
        %dma_wait3A_49 = tpu.memref_slice %arg9[%add3A_30, %dma_wait3A_48] : memref<10112x128xf32, #tpu.memory_space<vmem_shared>> -> memref<8x128xf32, #tpu.memory_space<vmem_shared>>
        %dma_wait3A_50 = arith.constant 0 : i32
        %dma_wait3A_51 = arith.constant 0 : i32
        %dma_wait3A_52 = tpu.memref_slice %arg7[%dma_wait3A_50, %dma_wait3A_51] : memref<128x128xf32, #tpu.memory_space<vmem>> -> memref<8x128xf32, #tpu.memory_space<vmem>>
        %dma_wait3A_53 = arith.constant 0 : i32
        %dma_wait3A_54 = tpu.memref_slice %arg9[%add3A_30, %dma_wait3A_53] : memref<10112x128xf32, #tpu.memory_space<vmem_shared>> -> memref<8x128xf32, #tpu.memory_space<vmem_shared>>
        tpu.wait_dma2 semaphore(%run_scoped3A : memref<!tpu.dma_semaphore, #tpu.memory_space<semaphore_mem>>) src(%dma_wait3A_54 : memref<8x128xf32, #tpu.memory_space<vmem_shared>>) dst(%dma_wait3A_52 : memref<8x128xf32, #tpu.memory_space<vmem>>)
        tpu.yield
      }) : () -> ()
      %mul3A_31 = arith.constant 10112 : i32
      %mul3A_32 = arith.muli %arg0, %mul3A_31 : i32
      %add3A_33 = arith.addi %mul3A_32, %mul3A_2 : i32
      %mul3A_34 = arith.constant 8 : i32
      %mul3A_35 = arith.muli %scan3A_27, %mul3A_34 : i32
      %add3A_36 = arith.addi %add3A_33, %mul3A_35 : i32
      "tpu.region"() ({
        %run_scoped3A = tpu.sem_alloc : memref<!tpu.dma_semaphore, #tpu.memory_space<semaphore_mem>>
        %dma_start3A = arith.constant 0 : i32
        %dma_start3A_37 = arith.constant 0 : i32
        %dma_start3A_38 = tpu.memref_slice %arg7[%dma_start3A, %dma_start3A_37] : memref<128x128xf32, #tpu.memory_space<vmem>> -> memref<8x128xf32, #tpu.memory_space<vmem>>
        %dma_start3A_39 = arith.constant 0 : i32
        %dma_start3A_40 = tpu.memref_slice %arg5[%add3A_36, %dma_start3A_39] : memref<20224x128xf32, #tpu.memory_space<hbm>> -> memref<8x128xf32, #tpu.memory_space<hbm>>
        %dma_start3A_41 = arith.constant 0 : i32
        %dma_start3A_42 = tpu.memref_slice %arg5[%add3A_36, %dma_start3A_41] : memref<20224x128xf32, #tpu.memory_space<hbm>> -> memref<8x128xf32, #tpu.memory_space<hbm>>
        %dma_start3A_43 = arith.constant 0 : i32
        %dma_start3A_44 = arith.constant 0 : i32
        %dma_start3A_45 = tpu.memref_slice %arg7[%dma_start3A_43, %dma_start3A_44] : memref<128x128xf32, #tpu.memory_space<vmem>> -> memref<8x128xf32, #tpu.memory_space<vmem>>
        tpu.enqueue_dma source(%dma_start3A_45 : memref<8x128xf32, #tpu.memory_space<vmem>>) target(%dma_start3A_42 : memref<8x128xf32, #tpu.memory_space<hbm>>) target_semaphore(%run_scoped3A : memref<!tpu.dma_semaphore, #tpu.memory_space<semaphore_mem>>)
        %dma_wait3A = arith.constant 0 : i32
        %dma_wait3A_46 = arith.constant 0 : i32
        %dma_wait3A_47 = tpu.memref_slice %arg7[%dma_wait3A, %dma_wait3A_46] : memref<128x128xf32, #tpu.memory_space<vmem>> -> memref<8x128xf32, #tpu.memory_space<vmem>>
        %dma_wait3A_48 = arith.constant 0 : i32
        %dma_wait3A_49 = tpu.memref_slice %arg5[%add3A_36, %dma_wait3A_48] : memref<20224x128xf32, #tpu.memory_space<hbm>> -> memref<8x128xf32, #tpu.memory_space<hbm>>
        %dma_wait3A_50 = arith.constant 0 : i32
        %dma_wait3A_51 = tpu.memref_slice %arg5[%add3A_36, %dma_wait3A_50] : memref<20224x128xf32, #tpu.memory_space<hbm>> -> memref<8x128xf32, #tpu.memory_space<hbm>>
        %dma_wait3A_52 = arith.constant 0 : i32
        %dma_wait3A_53 = arith.constant 0 : i32
        %dma_wait3A_54 = tpu.memref_slice %arg7[%dma_wait3A_52, %dma_wait3A_53] : memref<128x128xf32, #tpu.memory_space<vmem>> -> memref<8x128xf32, #tpu.memory_space<vmem>>
        tpu.wait_dma2 semaphore(%run_scoped3A : memref<!tpu.dma_semaphore, #tpu.memory_space<semaphore_mem>>) src(%dma_wait3A_54 : memref<8x128xf32, #tpu.memory_space<vmem>>) dst(%dma_wait3A_51 : memref<8x128xf32, #tpu.memory_space<hbm>>)
        tpu.yield
      }) : () -> ()
    }
    %scan3A_26 = arith.constant 79 : i32
    return
  }
}

module attributes {stable_mosaic.version = 14 : i64} {
  func.func @_edge_body(%arg0: i32, %arg1: memref<4000x128xf32, #tpu.memory_space<vmem>>, %arg2: memref<4000x16xf32, #tpu.memory_space<vmem>>, %arg3: memref<128x128xf32, #tpu.memory_space<vmem>>, %arg4: memref<16x128xf32, #tpu.memory_space<vmem>>, %arg5: memref<1x128xf32, #tpu.memory_space<vmem>>, %arg6: memref<128x128xf32, #tpu.memory_space<vmem>>, %arg7: memref<1x128xf32, #tpu.memory_space<vmem>>, %arg8: memref<128x128xf32, #tpu.memory_space<vmem>>, %arg9: memref<1x128xf32, #tpu.memory_space<vmem>>, %arg10: memref<128x1xf32, #tpu.memory_space<vmem>>, %arg11: memref<128x1xf32, #tpu.memory_space<vmem>>, %arg12: memref<1x1xf32, #tpu.memory_space<vmem>>, %arg13: memref<4000x128xf32, #tpu.memory_space<vmem>>, %arg14: memref<4000x16xf32, #tpu.memory_space<vmem>>) attributes {dimension_semantics = [#tpu.dimension_semantics<arbitrary>], iteration_bounds = array<i64: 80>, scalar_prefetch = 0 : i64, scratch_operands = 0 : i64, tpu.core_type = #tpu.core_type<tc>, window_params = [{transform_indices = @transform_0, window_bounds = array<i64: 4000, 128>}, {transform_indices = @transform_1, window_bounds = array<i64: 4000, 16>}, {pipeline_mode = #tpu.pipeline_mode<synchronous>, transform_indices = @transform_2, window_bounds = array<i64: 128, 128>}, {pipeline_mode = #tpu.pipeline_mode<synchronous>, transform_indices = @transform_3, window_bounds = array<i64: 16, 128>}, {pipeline_mode = #tpu.pipeline_mode<synchronous>, transform_indices = @transform_4, window_bounds = array<i64: 1, 128>}, {pipeline_mode = #tpu.pipeline_mode<synchronous>, transform_indices = @transform_5, window_bounds = array<i64: 128, 128>}, {pipeline_mode = #tpu.pipeline_mode<synchronous>, transform_indices = @transform_6, window_bounds = array<i64: 1, 128>}, {pipeline_mode = #tpu.pipeline_mode<synchronous>, transform_indices = @transform_7, window_bounds = array<i64: 128, 128>}, {pipeline_mode = #tpu.pipeline_mode<synchronous>, transform_indices = @transform_8, window_bounds = array<i64: 1, 128>}, {pipeline_mode = #tpu.pipeline_mode<synchronous>, transform_indices = @transform_9, window_bounds = array<i64: 128, 1>}, {pipeline_mode = #tpu.pipeline_mode<synchronous>, transform_indices = @transform_10, window_bounds = array<i64: 128, 1>}, {pipeline_mode = #tpu.pipeline_mode<synchronous>, transform_indices = @transform_11, window_bounds = array<i64: 1, 1>}, {transform_indices = @transform_12, window_bounds = array<i64: 4000, 128>}, {transform_indices = @transform_13, window_bounds = array<i64: 4000, 16>}]} {
    %get3A = arith.constant 0 : index
    %get3A_0 = arith.constant 0 : index
    %get3A_1 = vector.load %arg1[%get3A, %get3A_0] : memref<4000x128xf32, #tpu.memory_space<vmem>>, vector<4000x128xf32>
    %get3A_2 = arith.constant 0 : index
    %get3A_3 = arith.constant 0 : index
    %get3A_4 = vector.load %arg2[%get3A_2, %get3A_3] : memref<4000x16xf32, #tpu.memory_space<vmem>>, vector<4000x16xf32>
    %get3A_5 = arith.constant 0 : index
    %get3A_6 = arith.constant 0 : index
    %get3A_7 = vector.load %arg4[%get3A_5, %get3A_6] : memref<16x128xf32, #tpu.memory_space<vmem>>, vector<16x128xf32>
    %dot_general3A = arith.constant dense<0.000000e+00> : vector<4000x128xf32>
    %dot_general3A_8 = tpu.matmul %get3A_4, %get3A_7, %dot_general3A {dimension_numbers = #tpu.dot_dimension_numbers<[1], [0], [0], [1], [0, 0, 1, 1], [], []>, transpose_lhs_hint = false} : vector<4000x16xf32>, vector<16x128xf32>, vector<4000x128xf32> -> vector<4000x128xf32>
    %get3A_9 = arith.constant 0 : index
    %get3A_10 = arith.constant 0 : index
    %get3A_11 = vector.load %arg5[%get3A_9, %get3A_10] : memref<1x128xf32, #tpu.memory_space<vmem>>, vector<1x128xf32>
    %add3A = vector.broadcast %get3A_11 : vector<1x128xf32> to vector<4000x128xf32>
    %add3A_12 = arith.addf %dot_general3A_8, %add3A : vector<4000x128xf32>
    %get3A_13 = arith.constant 0 : index
    %get3A_14 = arith.constant 0 : index
    %get3A_15 = vector.load %arg3[%get3A_13, %get3A_14] : memref<128x128xf32, #tpu.memory_space<vmem>>, vector<128x128xf32>
    %dot_general3A_16 = arith.constant dense<0.000000e+00> : vector<4000x128xf32>
    %dot_general3A_17 = tpu.matmul %get3A_1, %get3A_15, %dot_general3A_16 {dimension_numbers = #tpu.dot_dimension_numbers<[1], [0], [0], [1], [0, 0, 1, 1], [], []>, transpose_lhs_hint = false} : vector<4000x128xf32>, vector<128x128xf32>, vector<4000x128xf32> -> vector<4000x128xf32>
    %add3A_18 = arith.addf %dot_general3A_17, %add3A_12 : vector<4000x128xf32>
    %ge3A = arith.constant 0.000000e+00 : f32
    %ge3A_19 = vector.broadcast %ge3A : f32 to vector<4000x128xf32>
    %ge3A_20 = arith.cmpf oge, %add3A_18, %ge3A_19 : vector<4000x128xf32>
    %mul3A = arith.constant 0.00999999977 : f32
    %mul3A_21 = vector.broadcast %mul3A : f32 to vector<4000x128xf32>
    %mul3A_22 = arith.mulf %mul3A_21, %add3A_18 : vector<4000x128xf32>
    %select_n3A = arith.select %ge3A_20, %add3A_18, %mul3A_22 : vector<4000x128xi1>, vector<4000x128xf32>
    %get3A_23 = arith.constant 0 : index
    %get3A_24 = arith.constant 0 : index
    %get3A_25 = vector.load %arg8[%get3A_23, %get3A_24] : memref<128x128xf32, #tpu.memory_space<vmem>>, vector<128x128xf32>
    %dot_general3A_26 = arith.constant dense<0.000000e+00> : vector<4000x128xf32>
    %dot_general3A_27 = tpu.matmul %select_n3A, %get3A_25, %dot_general3A_26 {dimension_numbers = #tpu.dot_dimension_numbers<[1], [0], [0], [1], [0, 0, 1, 1], [], []>, transpose_lhs_hint = false} : vector<4000x128xf32>, vector<128x128xf32>, vector<4000x128xf32> -> vector<4000x128xf32>
    %get3A_28 = arith.constant 0 : index
    %get3A_29 = arith.constant 0 : index
    %get3A_30 = vector.load %arg9[%get3A_28, %get3A_29] : memref<1x128xf32, #tpu.memory_space<vmem>>, vector<1x128xf32>
    %add3A_31 = vector.broadcast %get3A_30 : vector<1x128xf32> to vector<4000x128xf32>
    %add3A_32 = arith.addf %dot_general3A_27, %add3A_31 : vector<4000x128xf32>
    %get3A_33 = arith.constant 0 : index
    %get3A_34 = arith.constant 0 : index
    %get3A_35 = vector.load %arg6[%get3A_33, %get3A_34] : memref<128x128xf32, #tpu.memory_space<vmem>>, vector<128x128xf32>
    %dot_general3A_36 = arith.constant dense<0.000000e+00> : vector<4000x128xf32>
    %dot_general3A_37 = tpu.matmul %get3A_1, %get3A_35, %dot_general3A_36 {dimension_numbers = #tpu.dot_dimension_numbers<[1], [0], [0], [1], [0, 0, 1, 1], [], []>, transpose_lhs_hint = false} : vector<4000x128xf32>, vector<128x128xf32>, vector<4000x128xf32> -> vector<4000x128xf32>
    %get3A_38 = arith.constant 0 : index
    %get3A_39 = arith.constant 0 : index
    %get3A_40 = vector.load %arg7[%get3A_38, %get3A_39] : memref<1x128xf32, #tpu.memory_space<vmem>>, vector<1x128xf32>
    %add3A_41 = vector.broadcast %get3A_40 : vector<1x128xf32> to vector<4000x128xf32>
    %add3A_42 = arith.addf %dot_general3A_37, %add3A_41 : vector<4000x128xf32>
    %ge3A_43 = arith.constant 0.000000e+00 : f32
    %ge3A_44 = vector.broadcast %ge3A_43 : f32 to vector<4000x128xf32>
    %ge3A_45 = arith.cmpf oge, %add3A_42, %ge3A_44 : vector<4000x128xf32>
    %mul3A_46 = arith.constant 0.00999999977 : f32
    %mul3A_47 = vector.broadcast %mul3A_46 : f32 to vector<4000x128xf32>
    %mul3A_48 = arith.mulf %mul3A_47, %add3A_42 : vector<4000x128xf32>
    %select_n3A_49 = arith.select %ge3A_45, %add3A_42, %mul3A_48 : vector<4000x128xi1>, vector<4000x128xf32>
    %get3A_50 = arith.constant 0 : index
    %get3A_51 = arith.constant 0 : index
    %get3A_52 = vector.load %arg10[%get3A_50, %get3A_51] : memref<128x1xf32, #tpu.memory_space<vmem>>, vector<128x1xf32>
    %dot_general3A_53 = arith.constant dense<0.000000e+00> : vector<4000x1xf32>
    %dot_general3A_54 = tpu.matmul %select_n3A_49, %get3A_52, %dot_general3A_53 {dimension_numbers = #tpu.dot_dimension_numbers<[1], [0], [0], [1], [0, 0, 1, 1], [], []>, transpose_lhs_hint = false} : vector<4000x128xf32>, vector<128x1xf32>, vector<4000x1xf32> -> vector<4000x1xf32>
    %get3A_55 = arith.constant 0 : index
    %get3A_56 = arith.constant 0 : index
    %get3A_57 = vector.load %arg11[%get3A_55, %get3A_56] : memref<128x1xf32, #tpu.memory_space<vmem>>, vector<128x1xf32>
    %dot_general3A_58 = arith.constant dense<0.000000e+00> : vector<4000x1xf32>
    %dot_general3A_59 = tpu.matmul %select_n3A, %get3A_57, %dot_general3A_58 {dimension_numbers = #tpu.dot_dimension_numbers<[1], [0], [0], [1], [0, 0, 1, 1], [], []>, transpose_lhs_hint = false} : vector<4000x128xf32>, vector<128x1xf32>, vector<4000x1xf32> -> vector<4000x1xf32>
    %add3A_60 = arith.addf %dot_general3A_54, %dot_general3A_59 : vector<4000x1xf32>
    %get3A_61 = arith.constant 0 : index
    %get3A_62 = arith.constant 0 : index
    %get3A_63 = vector.load %arg12[%get3A_61, %get3A_62] : memref<1x1xf32, #tpu.memory_space<vmem>>, vector<1x1xf32>
    %add3A_64 = vector.broadcast %get3A_63 : vector<1x1xf32> to vector<4000x1xf32>
    %add3A_65 = arith.addf %add3A_60, %add3A_64 : vector<4000x1xf32>
    %ge3A_66 = arith.constant 0.000000e+00 : f32
    %ge3A_67 = vector.broadcast %ge3A_66 : f32 to vector<4000x1xf32>
    %ge3A_68 = arith.cmpf oge, %add3A_65, %ge3A_67 : vector<4000x1xf32>
    %mul3A_69 = arith.constant 0.00999999977 : f32
    %mul3A_70 = vector.broadcast %mul3A_69 : f32 to vector<4000x1xf32>
    %mul3A_71 = arith.mulf %mul3A_70, %add3A_65 : vector<4000x1xf32>
    %select_n3A_72 = arith.select %ge3A_68, %add3A_65, %mul3A_71 : vector<4000x1xi1>, vector<4000x1xf32>
    %exp3A = math.exp %select_n3A_72 : vector<4000x1xf32>
    %broadcast_in_dim3A = arith.constant 0.000000e+00 : f32
    %broadcast_in_dim3A_73 = vector.broadcast %broadcast_in_dim3A : f32 to vector<4000x15xf32>
    %concatenate3A = tpu.concatenate %exp3A, %broadcast_in_dim3A_73 in 1 : vector<4000x1xf32>, vector<4000x15xf32> -> vector<4000x16xf32>
    %swap3A = arith.constant 0 : index
    %swap3A_74 = arith.constant 0 : index
    %swap3A_75 = vector.load %arg14[%swap3A, %swap3A_74] : memref<4000x16xf32, #tpu.memory_space<vmem>>, vector<4000x16xf32>
    tpu.vector_store %arg14[%swap3A, %swap3A_74], %concatenate3A {strides = array<i32>} : memref<4000x16xf32, #tpu.memory_space<vmem>>, vector<4000x16xf32>,
    %mul3A_76 = vector.broadcast %exp3A : vector<4000x1xf32> to vector<4000x128xf32>
    %mul3A_77 = arith.mulf %mul3A_76, %add3A_32 : vector<4000x128xf32>
    %swap3A_78 = arith.constant 0 : index
    %swap3A_79 = arith.constant 0 : index
    %swap3A_80 = vector.load %arg13[%swap3A_78, %swap3A_79] : memref<4000x128xf32, #tpu.memory_space<vmem>>, vector<4000x128xf32>
    tpu.vector_store %arg13[%swap3A_78, %swap3A_79], %mul3A_77 {strides = array<i32>} : memref<4000x128xf32, #tpu.memory_space<vmem>>, vector<4000x128xf32>,
    return
  }
  func.func @transform_0(%arg0: i32) -> (i32, i32) {
    %c0_i32 = arith.constant 0 : i32
    %c0_i32_0 = arith.constant 0 : i32
    return %arg0, %c0_i32 : i32, i32
  }
  func.func @transform_1(%arg0: i32) -> (i32, i32) {
    %c0_i32 = arith.constant 0 : i32
    %c0_i32_0 = arith.constant 0 : i32
    return %arg0, %c0_i32 : i32, i32
  }
  func.func @transform_2(%arg0: i32) -> (i32, i32) {
    %c0_i32 = arith.constant 0 : i32
    %c0_i32_0 = arith.constant 0 : i32
    %c0_i32_1 = arith.constant 0 : i32
    return %c0_i32, %c0_i32_0 : i32, i32
  }
  func.func @transform_3(%arg0: i32) -> (i32, i32) {
    %c0_i32 = arith.constant 0 : i32
    %c0_i32_0 = arith.constant 0 : i32
    %c0_i32_1 = arith.constant 0 : i32
    return %c0_i32, %c0_i32_0 : i32, i32
  }
  func.func @transform_4(%arg0: i32) -> (i32, i32) {
    %c0_i32 = arith.constant 0 : i32
    %c0_i32_0 = arith.constant 0 : i32
    %c0_i32_1 = arith.constant 0 : i32
    return %c0_i32, %c0_i32_0 : i32, i32
  }
  func.func @transform_5(%arg0: i32) -> (i32, i32) {
    %c0_i32 = arith.constant 0 : i32
    %c0_i32_0 = arith.constant 0 : i32
    %c0_i32_1 = arith.constant 0 : i32
    return %c0_i32, %c0_i32_0 : i32, i32
  }
  func.func @transform_6(%arg0: i32) -> (i32, i32) {
    %c0_i32 = arith.constant 0 : i32
    %c0_i32_0 = arith.constant 0 : i32
    %c0_i32_1 = arith.constant 0 : i32
    return %c0_i32, %c0_i32_0 : i32, i32
  }
  func.func @transform_7(%arg0: i32) -> (i32, i32) {
    %c0_i32 = arith.constant 0 : i32
    %c0_i32_0 = arith.constant 0 : i32
    %c0_i32_1 = arith.constant 0 : i32
    return %c0_i32, %c0_i32_0 : i32, i32
  }
  func.func @transform_8(%arg0: i32) -> (i32, i32) {
    %c0_i32 = arith.constant 0 : i32
    %c0_i32_0 = arith.constant 0 : i32
    %c0_i32_1 = arith.constant 0 : i32
    return %c0_i32, %c0_i32_0 : i32, i32
  }
  func.func @transform_9(%arg0: i32) -> (i32, i32) {
    %c0_i32 = arith.constant 0 : i32
    %c0_i32_0 = arith.constant 0 : i32
    %c0_i32_1 = arith.constant 0 : i32
    return %c0_i32, %c0_i32_0 : i32, i32
  }
  func.func @transform_10(%arg0: i32) -> (i32, i32) {
    %c0_i32 = arith.constant 0 : i32
    %c0_i32_0 = arith.constant 0 : i32
    %c0_i32_1 = arith.constant 0 : i32
    return %c0_i32, %c0_i32_0 : i32, i32
  }
  func.func @transform_11(%arg0: i32) -> (i32, i32) {
    %c0_i32 = arith.constant 0 : i32
    %c0_i32_0 = arith.constant 0 : i32
    %c0_i32_1 = arith.constant 0 : i32
    return %c0_i32, %c0_i32_0 : i32, i32
  }
  func.func @transform_12(%arg0: i32) -> (i32, i32) {
    %c0_i32 = arith.constant 0 : i32
    %c0_i32_0 = arith.constant 0 : i32
    return %arg0, %c0_i32 : i32, i32
  }
  func.func @transform_13(%arg0: i32) -> (i32, i32) {
    %c0_i32 = arith.constant 0 : i32
    %c0_i32_0 = arith.constant 0 : i32
    return %arg0, %c0_i32 : i32, i32
  }
}

module attributes {stable_mosaic.version = 14 : i64} {
  func.func @_node_embed_body(%arg0: i32, %arg1: memref<1000x128xf32, #tpu.memory_space<vmem>>, %arg2: memref<128x128xf32, #tpu.memory_space<vmem>>, %arg3: memref<1x128xf32, #tpu.memory_space<vmem>>, %arg4: memref<1000x128xf32, #tpu.memory_space<vmem>>) attributes {dimension_semantics = [#tpu.dimension_semantics<arbitrary>], iteration_bounds = array<i64: 10>, scalar_prefetch = 0 : i64, scratch_operands = 0 : i64, tpu.core_type = #tpu.core_type<tc>, window_params = [{transform_indices = @transform_0, window_bounds = array<i64: 1000, 128>}, {pipeline_mode = #tpu.pipeline_mode<synchronous>, transform_indices = @transform_1, window_bounds = array<i64: 128, 128>}, {pipeline_mode = #tpu.pipeline_mode<synchronous>, transform_indices = @transform_2, window_bounds = array<i64: 1, 128>}, {transform_indices = @transform_3, window_bounds = array<i64: 1000, 128>}]} {
    %get3A = arith.constant 0 : index
    %get3A_0 = arith.constant 0 : index
    %get3A_1 = vector.load %arg1[%get3A, %get3A_0] : memref<1000x128xf32, #tpu.memory_space<vmem>>, vector<1000x128xf32>
    %get3A_2 = arith.constant 0 : index
    %get3A_3 = arith.constant 0 : index
    %get3A_4 = vector.load %arg2[%get3A_2, %get3A_3] : memref<128x128xf32, #tpu.memory_space<vmem>>, vector<128x128xf32>
    %dot_general3A = arith.constant dense<0.000000e+00> : vector<1000x128xf32>
    %dot_general3A_5 = tpu.matmul %get3A_1, %get3A_4, %dot_general3A {dimension_numbers = #tpu.dot_dimension_numbers<[1], [0], [0], [1], [0, 0, 1, 1], [], []>, transpose_lhs_hint = false} : vector<1000x128xf32>, vector<128x128xf32>, vector<1000x128xf32> -> vector<1000x128xf32>
    %get3A_6 = arith.constant 0 : index
    %get3A_7 = arith.constant 0 : index
    %get3A_8 = vector.load %arg3[%get3A_6, %get3A_7] : memref<1x128xf32, #tpu.memory_space<vmem>>, vector<1x128xf32>
    %add3A = vector.broadcast %get3A_8 : vector<1x128xf32> to vector<1000x128xf32>
    %add3A_9 = arith.addf %dot_general3A_5, %add3A : vector<1000x128xf32>
    %ge3A = arith.constant 0.000000e+00 : f32
    %ge3A_10 = vector.broadcast %ge3A : f32 to vector<1000x128xf32>
    %ge3A_11 = arith.cmpf oge, %add3A_9, %ge3A_10 : vector<1000x128xf32>
    %mul3A = arith.constant 0.00999999977 : f32
    %mul3A_12 = vector.broadcast %mul3A : f32 to vector<1000x128xf32>
    %mul3A_13 = arith.mulf %mul3A_12, %add3A_9 : vector<1000x128xf32>
    %select_n3A = arith.select %ge3A_11, %add3A_9, %mul3A_13 : vector<1000x128xi1>, vector<1000x128xf32>
    %swap3A = arith.constant 0 : index
    %swap3A_14 = arith.constant 0 : index
    %swap3A_15 = vector.load %arg4[%swap3A, %swap3A_14] : memref<1000x128xf32, #tpu.memory_space<vmem>>, vector<1000x128xf32>
    tpu.vector_store %arg4[%swap3A, %swap3A_14], %select_n3A {strides = array<i32>} : memref<1000x128xf32, #tpu.memory_space<vmem>>, vector<1000x128xf32>,
    return
  }
  func.func @transform_0(%arg0: i32) -> (i32, i32) {
    %c0_i32 = arith.constant 0 : i32
    %c0_i32_0 = arith.constant 0 : i32
    return %arg0, %c0_i32 : i32, i32
  }
  func.func @transform_1(%arg0: i32) -> (i32, i32) {
    %c0_i32 = arith.constant 0 : i32
    %c0_i32_0 = arith.constant 0 : i32
    %c0_i32_1 = arith.constant 0 : i32
    return %c0_i32, %c0_i32_0 : i32, i32
  }
  func.func @transform_2(%arg0: i32) -> (i32, i32) {
    %c0_i32 = arith.constant 0 : i32
    %c0_i32_0 = arith.constant 0 : i32
    %c0_i32_1 = arith.constant 0 : i32
    return %c0_i32, %c0_i32_0 : i32, i32
  }
  func.func @transform_3(%arg0: i32) -> (i32, i32) {
    %c0_i32 = arith.constant 0 : i32
    %c0_i32_0 = arith.constant 0 : i32
    return %arg0, %c0_i32 : i32, i32
  }
}

module attributes {stable_mosaic.version = 14 : i64} {
  func.func @_gru_body(%arg0: i32, %arg1: memref<1000x128xf32, #tpu.memory_space<vmem>>, %arg2: memref<1000x128xf32, #tpu.memory_space<vmem>>, %arg3: memref<1000x1xf32, #tpu.memory_space<vmem>>, %arg4: memref<1000x128xf32, #tpu.memory_space<vmem>>, %arg5: memref<128x384xf32, #tpu.memory_space<vmem>>, %arg6: memref<1x384xf32, #tpu.memory_space<vmem>>, %arg7: memref<128x384xf32, #tpu.memory_space<vmem>>, %arg8: memref<1x384xf32, #tpu.memory_space<vmem>>, %arg9: memref<1000x128xf32, #tpu.memory_space<vmem>>) attributes {dimension_semantics = [#tpu.dimension_semantics<arbitrary>], iteration_bounds = array<i64: 10>, scalar_prefetch = 0 : i64, scratch_operands = 0 : i64, tpu.core_type = #tpu.core_type<tc>, window_params = [{transform_indices = @transform_0, window_bounds = array<i64: 1000, 128>}, {transform_indices = @transform_1, window_bounds = array<i64: 1000, 128>}, {transform_indices = @transform_2, window_bounds = array<i64: 1000, 1>}, {transform_indices = @transform_3, window_bounds = array<i64: 1000, 128>}, {pipeline_mode = #tpu.pipeline_mode<synchronous>, transform_indices = @transform_4, window_bounds = array<i64: 128, 384>}, {pipeline_mode = #tpu.pipeline_mode<synchronous>, transform_indices = @transform_5, window_bounds = array<i64: 1, 384>}, {pipeline_mode = #tpu.pipeline_mode<synchronous>, transform_indices = @transform_6, window_bounds = array<i64: 128, 384>}, {pipeline_mode = #tpu.pipeline_mode<synchronous>, transform_indices = @transform_7, window_bounds = array<i64: 1, 384>}, {transform_indices = @transform_8, window_bounds = array<i64: 1000, 128>}]} {
    %get3A = arith.constant 0 : index
    %get3A_0 = arith.constant 0 : index
    %get3A_1 = vector.load %arg3[%get3A, %get3A_0] : memref<1000x1xf32, #tpu.memory_space<vmem>>, vector<1000x1xf32>
    %gt3A = arith.constant 0.000000e+00 : f32
    %gt3A_2 = vector.broadcast %gt3A : f32 to vector<1000x1xf32>
    %gt3A_3 = arith.cmpf ogt, %get3A_1, %gt3A_2 : vector<1000x1xf32>
    %jit3A = arith.constant 1.000000e+00 : f32
    %broadcast_in_dim3A = vector.broadcast %jit3A : f32 to vector<1000x1xf32>
    %select_n3A = arith.select %gt3A_3, %get3A_1, %broadcast_in_dim3A : vector<1000x1xi1>, vector<1000x1xf32>
    %get3A_4 = arith.constant 0 : index
    %get3A_5 = arith.constant 0 : index
    %get3A_6 = vector.load %arg1[%get3A_4, %get3A_5] : memref<1000x128xf32, #tpu.memory_space<vmem>>, vector<1000x128xf32>
    %get3A_7 = arith.constant 0 : index
    %get3A_8 = arith.constant 0 : index
    %get3A_9 = vector.load %arg2[%get3A_7, %get3A_8] : memref<1000x128xf32, #tpu.memory_space<vmem>>, vector<1000x128xf32>
    %add3A = arith.addf %get3A_6, %get3A_9 : vector<1000x128xf32>
    %div3A = vector.broadcast %select_n3A : vector<1000x1xf32> to vector<1000x128xf32>
    %div3A_10 = arith.divf %add3A, %div3A : vector<1000x128xf32>
    %ge3A = arith.constant 0.000000e+00 : f32
    %ge3A_11 = vector.broadcast %ge3A : f32 to vector<1000x128xf32>
    %ge3A_12 = arith.cmpf oge, %div3A_10, %ge3A_11 : vector<1000x128xf32>
    %min3A = arith.constant 0.000000e+00 : f32
    %min3A_13 = vector.broadcast %min3A : f32 to vector<1000x128xf32>
    %min3A_14 = arith.minimumf %div3A_10, %min3A_13 : vector<1000x128xf32>
    %exp3A = math.exp %min3A_14 : vector<1000x128xf32>
    %sub3A = arith.constant 1.000000e+00 : f32
    %sub3A_15 = vector.broadcast %sub3A : f32 to vector<1000x128xf32>
    %sub3A_16 = arith.subf %exp3A, %sub3A_15 : vector<1000x128xf32>
    %select_n3A_17 = arith.select %ge3A_12, %div3A_10, %sub3A_16 : vector<1000x128xi1>, vector<1000x128xf32>
    %get3A_18 = arith.constant 0 : index
    %get3A_19 = arith.constant 0 : index
    %get3A_20 = vector.load %arg5[%get3A_18, %get3A_19] : memref<128x384xf32, #tpu.memory_space<vmem>>, vector<128x384xf32>
    %dot_general3A = arith.constant dense<0.000000e+00> : vector<1000x384xf32>
    %dot_general3A_21 = tpu.matmul %select_n3A_17, %get3A_20, %dot_general3A {dimension_numbers = #tpu.dot_dimension_numbers<[1], [0], [0], [1], [0, 0, 1, 1], [], []>, transpose_lhs_hint = false} : vector<1000x128xf32>, vector<128x384xf32>, vector<1000x384xf32> -> vector<1000x384xf32>
    %get3A_22 = arith.constant 0 : index
    %get3A_23 = arith.constant 0 : index
    %get3A_24 = vector.load %arg6[%get3A_22, %get3A_23] : memref<1x384xf32, #tpu.memory_space<vmem>>, vector<1x384xf32>
    %add3A_25 = vector.broadcast %get3A_24 : vector<1x384xf32> to vector<1000x384xf32>
    %add3A_26 = arith.addf %dot_general3A_21, %add3A_25 : vector<1000x384xf32>
    %get3A_27 = arith.constant 0 : index
    %get3A_28 = arith.constant 0 : index
    %get3A_29 = vector.load %arg4[%get3A_27, %get3A_28] : memref<1000x128xf32, #tpu.memory_space<vmem>>, vector<1000x128xf32>
    %get3A_30 = arith.constant 0 : index
    %get3A_31 = arith.constant 0 : index
    %get3A_32 = vector.load %arg7[%get3A_30, %get3A_31] : memref<128x384xf32, #tpu.memory_space<vmem>>, vector<128x384xf32>
    %dot_general3A_33 = arith.constant dense<0.000000e+00> : vector<1000x384xf32>
    %dot_general3A_34 = tpu.matmul %get3A_29, %get3A_32, %dot_general3A_33 {dimension_numbers = #tpu.dot_dimension_numbers<[1], [0], [0], [1], [0, 0, 1, 1], [], []>, transpose_lhs_hint = false} : vector<1000x128xf32>, vector<128x384xf32>, vector<1000x384xf32> -> vector<1000x384xf32>
    %get3A_35 = arith.constant 0 : index
    %get3A_36 = arith.constant 0 : index
    %get3A_37 = vector.load %arg8[%get3A_35, %get3A_36] : memref<1x384xf32, #tpu.memory_space<vmem>>, vector<1x384xf32>
    %add3A_38 = vector.broadcast %get3A_37 : vector<1x384xf32> to vector<1000x384xf32>
    %add3A_39 = arith.addf %dot_general3A_34, %add3A_38 : vector<1000x384xf32>
    %slice3A = vector.extract_strided_slice %add3A_26 {offsets = [0, 0], sizes = [1000, 128], strides = [1, 1]} : vector<1000x384xf32> to vector<1000x128xf32>
    %slice3A_40 = vector.extract_strided_slice %add3A_26 {offsets = [0, 128], sizes = [1000, 128], strides = [1, 1]} : vector<1000x384xf32> to vector<1000x128xf32>
    %slice3A_41 = vector.extract_strided_slice %add3A_26 {offsets = [0, 256], sizes = [1000, 128], strides = [1, 1]} : vector<1000x384xf32> to vector<1000x128xf32>
    %slice3A_42 = vector.extract_strided_slice %add3A_39 {offsets = [0, 0], sizes = [1000, 128], strides = [1, 1]} : vector<1000x384xf32> to vector<1000x128xf32>
    %slice3A_43 = vector.extract_strided_slice %add3A_39 {offsets = [0, 128], sizes = [1000, 128], strides = [1, 1]} : vector<1000x384xf32> to vector<1000x128xf32>
    %slice3A_44 = vector.extract_strided_slice %add3A_39 {offsets = [0, 256], sizes = [1000, 128], strides = [1, 1]} : vector<1000x384xf32> to vector<1000x128xf32>
    %add3A_45 = arith.addf %slice3A, %slice3A_42 : vector<1000x128xf32>
    %logistic3A = arith.negf %add3A_45 : vector<1000x128xf32>
    %logistic3A_46 = math.exp %logistic3A : vector<1000x128xf32>
    %logistic3A_47 = arith.constant 1.000000e+00 : f32
    %logistic3A_48 = vector.broadcast %logistic3A_47 : f32 to vector<1000x128xf32>
    %logistic3A_49 = arith.addf %logistic3A_48, %logistic3A_46 : vector<1000x128xf32>
    %logistic3A_50 = arith.divf %logistic3A_48, %logistic3A_49 : vector<1000x128xf32>
    %add3A_51 = arith.addf %slice3A_40, %slice3A_43 : vector<1000x128xf32>
    %logistic3A_52 = arith.negf %add3A_51 : vector<1000x128xf32>
    %logistic3A_53 = math.exp %logistic3A_52 : vector<1000x128xf32>
    %logistic3A_54 = arith.constant 1.000000e+00 : f32
    %logistic3A_55 = vector.broadcast %logistic3A_54 : f32 to vector<1000x128xf32>
    %logistic3A_56 = arith.addf %logistic3A_55, %logistic3A_53 : vector<1000x128xf32>
    %logistic3A_57 = arith.divf %logistic3A_55, %logistic3A_56 : vector<1000x128xf32>
    %mul3A = arith.mulf %logistic3A_50, %slice3A_44 : vector<1000x128xf32>
    %add3A_58 = arith.addf %slice3A_41, %mul3A : vector<1000x128xf32>
    %tanh3A = math.tanh %add3A_58 : vector<1000x128xf32>
    %get3A_59 = arith.constant 0 : index
    %get3A_60 = arith.constant 0 : index
    %get3A_61 = vector.load %arg4[%get3A_59, %get3A_60] : memref<1000x128xf32, #tpu.memory_space<vmem>>, vector<1000x128xf32>
    %sub3A_62 = arith.constant 1.000000e+00 : f32
    %sub3A_63 = vector.broadcast %sub3A_62 : f32 to vector<1000x128xf32>
    %sub3A_64 = arith.subf %sub3A_63, %logistic3A_57 : vector<1000x128xf32>
    %mul3A_65 = arith.mulf %sub3A_64, %tanh3A : vector<1000x128xf32>
    %mul3A_66 = arith.mulf %logistic3A_57, %get3A_61 : vector<1000x128xf32>
    %add3A_67 = arith.addf %mul3A_65, %mul3A_66 : vector<1000x128xf32>
    %max3A = arith.constant 0.000000e+00 : f32
    %max3A_68 = vector.broadcast %max3A : f32 to vector<1000x128xf32>
    %max3A_69 = arith.maximumf %add3A_67, %max3A_68 : vector<1000x128xf32>
    %swap3A = arith.constant 0 : index
    %swap3A_70 = arith.constant 0 : index
    %swap3A_71 = vector.load %arg9[%swap3A, %swap3A_70] : memref<1000x128xf32, #tpu.memory_space<vmem>>, vector<1000x128xf32>
    tpu.vector_store %arg9[%swap3A, %swap3A_70], %max3A_69 {strides = array<i32>} : memref<1000x128xf32, #tpu.memory_space<vmem>>, vector<1000x128xf32>,
    return
  }
  func.func @transform_0(%arg0: i32) -> (i32, i32) {
    %c0_i32 = arith.constant 0 : i32
    %c0_i32_0 = arith.constant 0 : i32
    return %arg0, %c0_i32 : i32, i32
  }
  func.func @transform_1(%arg0: i32) -> (i32, i32) {
    %c0_i32 = arith.constant 0 : i32
    %c0_i32_0 = arith.constant 0 : i32
    return %arg0, %c0_i32 : i32, i32
  }
  func.func @transform_2(%arg0: i32) -> (i32, i32) {
    %c0_i32 = arith.constant 0 : i32
    %c0_i32_0 = arith.constant 0 : i32
    return %arg0, %c0_i32 : i32, i32
  }
  func.func @transform_3(%arg0: i32) -> (i32, i32) {
    %c0_i32 = arith.constant 0 : i32
    %c0_i32_0 = arith.constant 0 : i32
    return %arg0, %c0_i32 : i32, i32
  }
  func.func @transform_4(%arg0: i32) -> (i32, i32) {
    %c0_i32 = arith.constant 0 : i32
    %c0_i32_0 = arith.constant 0 : i32
    %c0_i32_1 = arith.constant 0 : i32
    return %c0_i32, %c0_i32_0 : i32, i32
  }
  func.func @transform_5(%arg0: i32) -> (i32, i32) {
    %c0_i32 = arith.constant 0 : i32
    %c0_i32_0 = arith.constant 0 : i32
    %c0_i32_1 = arith.constant 0 : i32
    return %c0_i32, %c0_i32_0 : i32, i32
  }
  func.func @transform_6(%arg0: i32) -> (i32, i32) {
    %c0_i32 = arith.constant 0 : i32
    %c0_i32_0 = arith.constant 0 : i32
    %c0_i32_1 = arith.constant 0 : i32
    return %c0_i32, %c0_i32_0 : i32, i32
  }
  func.func @transform_7(%arg0: i32) -> (i32, i32) {
    %c0_i32 = arith.constant 0 : i32
    %c0_i32_0 = arith.constant 0 : i32
    %c0_i32_1 = arith.constant 0 : i32
    return %c0_i32, %c0_i32_0 : i32, i32
  }
  func.func @transform_8(%arg0: i32) -> (i32, i32) {
    %c0_i32 = arith.constant 0 : i32
    %c0_i32_0 = arith.constant 0 : i32
    return %arg0, %c0_i32 : i32, i32
  }
}

</mosaic_0001>

<sc_bundles>
// kernel: kernel.10.cloned.1.call-start
scs
__scs_entry_jumppad:
0x0: {  	(pc) =	sbr.rel $0x88, $3  }
0x1: {  	(tag) =	ssettag $0x0;
	lr =	simm.s32 $0x1  }
0x2: {  	[smem:$0x3F92] =	sst lr;
	_ =	strace $0xD0000000  }
0x3: {  	_ = 	snop  }
0x4: {  	_ = 	snop  }
0x5: {  	_ = 	snop  }
0x6: {  	_ = 	snop  }
0x7: {  	_ = 	snop  }
__scs_overlays_trampoline_lowered:
0x8: {  	[smem:$0x3FA1] =	sst s0  }
0x9: {  	[smem:$0x3FA2] =	sst s1  }
0xa: {  	[smem:$0x3FA3] =	sst s2  }
0xb: {  	[smem:$0x3FA4] =	sst s3  }
0xc: {  	[smem:$0x3FA5] =	sst s4  }
0xd: {  	[smem:$0x3FA6] =	sst s5  }
0xe: {  	[smem:$0x3FA7] =	sst s6  }
0xf: {  	[smem:$0x3FA8] =	sst s7  }
0x10: {  	[smem:$0x3FA9] =	sst s8  }
0x11: {  	[smem:$0x3FAA] =	sst s9;
	s0 =	simm.s32 @!p0 $0x0  }
0x12: {  	s1 =	sld [smem:$0x3F90];
	s0 =	simm.s32 @p0 $0x1  }
0x13: {  	[smem:$0x3FAB] =	sst s0;
	s0 =	simm.s32 @!p1 $0x0  }
0x14: {  	s2 =	sld [smem:$0x3F8F];
	s0 =	simm.s32 @p1 $0x1  }
0x15: {  	[smem:$0x3FAC] =	sst s0;
	s0 =	simm.s32 @!p2 $0x0  }
0x16: {  	s3 =	sld [smem:$0x3FDB];
	s0 =	simm.s32 @p2 $0x1  }
0x17: {  	s4 =	simm.s32 $0x1BF5;
	[smem:$0x3FAE] =	sst s0  }
0x18: {  	s0 =	sld [smem:$0x3F91];
	_ =	swait.ge [sflag:s4], $0x0  }
0x19: {  	s7 =	sld [smem:$0x3F92]  }
0x1a: {  	s8 =	sadd.s32 $0xFFFFE003, lr  }
0x1b: {  	s9 =	sadd.s32 $0xFFFFFEF7, lr;
	s5 =	simm.s32 $0xFFFFFFFF;
	p2 =	slt.u32 s8, $0xFFFFF086  }
0x1c: {  	p1 =	slt.u32 s9, $0xF7A;
	s5 =	simm.s32 @!p2 $0x0  }
0x1d: {  	s5 =	simm.s32 @p1 $0x1;
	p0 =	seq.s32 s7, s2  }
0x1e: {  	s7 =	smul.u32 @!p0 $0xF7A, s2;
	p2 =	seq.s32 @!p0 s5, $0x0  }
0x1f: {  	s9 =	smul.u32 $0xF7A, s1;
	s8 =	simm.s32 @!p0 $0x1BF5;
	p2 =	por !p2, p0  }
0x20: {  	[sflag:s8] =	ssyncset.s32 @!p0 $0xFFFFF086;
	s6 =	sadd.s32 @!p0 s3, s7;
	s7 =	simm.s32 @!p0 $0x108  }
0x21: {  	s3 =	sadd.s32 s3, s9;
	s6 =	sadd.s32 @!p0 $0x88, s6;
	s7 =	simm.s32 @p2 $0x1082  }
0x22: {  	[simem:s7], [sflag:s8] =	dma.local @!p0 [hbm:s6], $0xF7A  }
0x23: {  	s9 =	sor.u32 $0xD0000000, s2;
	s6 =	simm.s32 $0x108;
	_ =	swait.ge @!p0 [sflag:s8], $0x0  }
0x24: {  	s3 =	sadd.s32 $0x88, s3;
	s6 =	simm.s32 @!p1 $0x1082;
	[sflag:s4] =	ssyncset.s32 $0xFFFFF086  }
0x25: {  	[simem:s6], [sflag:s4] =	dma.local [hbm:s3], $0xF7A  }
0x26: {  	[smem:$0x3F92] =	sst s1;
	(tag) =	ssettag s2;
	_ =	strace s9  }
0x27: {  	s1 =	sld [smem:$0x3FA2]  }
0x28: {  	s2 =	sld [smem:$0x3FA3]  }
0x29: {  	s4 =	sld [smem:$0x3FA5]  }
0x2a: {  	p0 =	seq.s32 s5, $0x0;
	s5 =	sld [smem:$0x3FA6]  }
0x2b: {  	s6 =	sld [smem:$0x3FA7]  }
0x2c: {  	s7 =	sld [smem:$0x3FA8]  }
0x2d: {  	s3 =	simm.s32 $0x108;
	s8 =	sld [smem:$0x3FA9]  }
0x2e: {  	s3 =	simm.s32 @!p0 $0x1082;
	s9 =	sld [smem:$0x3FAA]  }
0x2f: {  	lr =	sadd.s32 s0, s3;
	s0 =	sld [smem:$0x3FA1]  }
0x30: {  	s3 =	sld [smem:$0x3FA4]  }
0x31: {  	[smem:$0x3FAD] =	sst s10  }
0x32: {  	s10 =	sld [smem:$0x3FAB];
	_ =	sdelay $0x3  }
0x33: {  	p0 =	seq.s32 s10, $0x1;
	s10 =	sld [smem:$0x3FAD];
	_ =	sdelay $0x3  }
0x34: {  	[smem:$0x3FAD] =	sst s10  }
0x35: {  	s10 =	sld [smem:$0x3FAC];
	_ =	sdelay $0x3  }
0x36: {  	p1 =	seq.s32 s10, $0x1;
	s10 =	sld [smem:$0x3FAD];
	_ =	sdelay $0x3  }
0x37: {  	[smem:$0x3FAD] =	sst s10  }
0x38: {  	s10 =	sld [smem:$0x3FAE]  }
0x39: {  	_ = 	snop;
	(pc) =	sbr.ind lr, $3  }
0x3a: {  	_ = 	snop  }
0x3b: {  	_ = 	snop  }
0x3c: {  	p2 =	seq.s32 s10, $0x1;
	s10 =	sld [smem:$0x3FAD]  }
0x3d: {  	_ =	shalt  }
0x3e: {  	_ =	shalt  }
0x3f: {  	_ =	shalt  }
0x40: {  	_ =	shalt  }
0x41: {  	_ =	shalt  }
0x42: {  	_ =	shalt  }
0x43: {  	_ =	shalt  }
0x44: {  	_ =	shalt  }
0x45: {  	_ =	shalt  }
0x46: {  	_ =	shalt  }
0x47: {  	_ =	shalt  }
0x48: {  	_ =	shalt  }
0x49: {  	_ =	shalt  }
0x4a: {  	_ =	shalt  }
0x4b: {  	_ =	shalt  }
0x4c: {  	_ =	shalt  }
0x4d: {  	_ =	shalt  }
0x4e: {  	_ =	shalt  }
0x4f: {  	_ =	shalt  }
0x50: {  	_ =	shalt  }
0x51: {  	_ =	shalt  }
0x52: {  	_ =	shalt  }
0x53: {  	_ =	shalt  }
0x54: {  	_ =	shalt  }
0x55: {  	_ =	shalt  }
0x56: {  	_ =	shalt  }
0x57: {  	_ =	shalt  }
0x58: {  	_ =	shalt  }
0x59: {  	_ =	shalt  }
0x5a: {  	_ =	shalt  }
0x5b: {  	_ =	shalt  }
0x5c: {  	_ =	shalt  }
0x5d: {  	_ =	shalt  }
0x5e: {  	_ =	shalt  }
0x5f: {  	_ =	shalt  }
0x60: {  	_ =	shalt  }
0x61: {  	_ =	shalt  }
0x62: {  	_ =	shalt  }
0x63: {  	_ =	shalt  }
0x64: {  	_ =	shalt  }
0x65: {  	_ =	shalt  }
0x66: {  	_ =	shalt  }
0x67: {  	_ =	shalt  }
0x68: {  	_ =	shalt  }
0x69: {  	_ =	shalt  }
0x6a: {  	_ =	shalt  }
0x6b: {  	_ =	shalt  }
0x6c: {  	_ =	shalt  }
0x6d: {  	_ =	shalt  }
0x6e: {  	_ =	shalt  }
0x6f: {  	_ =	shalt  }
0x70: {  	_ =	shalt  }
0x71: {  	_ =	shalt  }
0x72: {  	_ =	shalt  }
0x73: {  	_ =	shalt  }
0x74: {  	_ =	shalt  }
0x75: {  	_ =	shalt  }
0x76: {  	_ =	shalt  }
0x77: {  	_ =	shalt  }
0x78: {  	_ =	shalt  }
0x79: {  	_ =	shalt  }
0x7a: {  	_ =	shalt  }
0x7b: {  	_ =	shalt  }
0x7c: {  	_ =	shalt  }
0x7d: {  	_ =	shalt  }
0x7e: {  	_ =	shalt  }
0x7f: {  	_ =	shalt  }
0x80: {  	_ =	shalt  }
0x81: {  	_ =	shalt  }
0x82: {  	_ =	shalt  }
0x83: {  	_ =	shalt  }
0x84: {  	_ =	shalt  }
0x85: {  	_ =	shalt  }
0x86: {  	_ =	shalt  }
0x87: {  	_ =	shalt  }
.Lfunc_end0:
.L_simem_size_0:
called_computation.2_lowered:
.L_overlay_start_0:
0x88: {  	s2 =	sld [smem:$0x3FD9]  }
0x89: {  	s3 =	sld [smem:$0x3FFE];
	_ =	sdelay $0x1  }
0x8a: {  	s1 =	srdreg.scid  }
0x8b: {  	s0 =	sand.u32 $0x1, s1  }
0x8c: {  	s15 =	sshll.u32 s0, $0xA;
	s2 =	sadd.s32 s3, s2  }
0x8d: {  	s2 =	sadd.s32 s2, s15  }
0x8e: {  	[smem:$0x3FB9] =	sst s2  }
0x8f: {  	_ = 	snop  }
0x90: {  	s2 =	sld [smem:$0x3FD0];
	_ =	sdelay $0x2  }
0x91: {  	s4 =	simm.s32 $0xB;
	s16 =	simm.s32 $0x10  }
0x92: {  	[smem:s16], [sflag:s4] =	dma.local [hbm:s2], $0x1  }
0x93: {  	_ =	swait.eq [sflag:s4], $0x1  }
0x94: {  	[sflag:s4] =	ssyncset.done $0x0  }
0x95: {  	s17 =	sld [smem:$0x10];
	[sflag:s4] =	ssyncadd.s32 $0xFFFFFFFF  }
0x96: {  	s18 =	sld [smem:$0x11];
	(tm) =	ssettm $0x1  }
0x97: {  	s19 =	sld [smem:$0x3FFB];
	_ =	sdelay $0x3  }
0x98: {  	_ =	strace s19  }
0x99: {  	s2 =	sld [smem:$0x3FFC];
	_ =	sdelay $0x3  }
0x9a: {  	_ =	strace s2  }
0x9b: {  	s2 =	sld [smem:$0x3FFD];
	_ =	sdelay $0x3  }
0x9c: {  	_ =	strace s2  }
0x9d: {  	_ =	strace $0x8FFFFFFF  }
0x9e: {  	s20 =	sld [smem:$0x3FDB];
	_ =	sdelay $0x1  }
0x9f: {  	s5 =	simm.s32 $_scs_section_size  }
0xa0: {  	s6 =	simm.s32 $_size__tile_overlayer_lowered;
	s7 =	simm.s32 $_tile_overlayer_lowered  }
0xa1: {  	s8 =	simm.s32 $0x1BFF;
	s21 =	sshll.u32 s7, $0x1;
	s5 =	sadd.s32 s5, s20  }
0xa2: {  	s22 =	simm.s32 $0x0;
	s6 =	sshll.u32 s6, $0x1;
	s7 =	sadd.s32 s21, s5  }
0xa3: {  	[timem:s22], [sflag:s8] =	dma.local [hbm:s7], s6  }
0xa4: {  	_ =	swait.ge [sflag:s8], s6  }
0xa5: {  	s6 =	ssub.s32 $0x0, s6;
	[sflag:s8] =	ssyncset.done $0x0  }
0xa6: {  	[sflag:s8] =	ssyncadd.s32 s6;
	_ =	sdelay $0x1  }
0xa7: {  	s23 =	simm.s32 $0x1B8B  }
0xa8: {  	_ =	swait.ge [sflag:s23], $0x1  }
0xa9: {  	[sflag:s23] =	ssyncset.done $0x0  }
0xaa: {  	[sflag:s23] =	ssyncadd.s32 $0xFFFFFFFF  }
0xab: {  	s6 =	sld [smem:$0x0]  }
0xac: {  	s7 =	sand.u32 $0xFFFFFFFE, s1  }
0xad: {  	p0 =	sne.s32 s1, s7  }
0xae: {  	s7 =	sshll.u32 @p0 s7, $0xE  }
0xaf: {  	s7 =	sadd.s32 @p0 $0x11B8D, s7;
	s8 =	sshll.u32 @p0 s6, $0x11  }
0xb0: {  	s7 =	sor.u32 @p0 s8, s7  }
0xb1: {  	[sflag:s7] =	ssyncadd.remote.s32 @p0 $0x1;
	_ =	sdelay $0x1  }
0xb2: {  	s7 =	simm.s32 @p0 $0x1B8D  }
0xb3: {  	_ =	swait.eq @p0 [sflag:s7], $0x1  }
0xb4: {  	[sflag:s7] =	ssyncadd.s32 @p0 $0xFFFFFFFF  }
0xb5: {  	s8 =	sshll.u32 @!p0 s1, $0xE  }
0xb6: {  	s8 =	sor.u32 @!p0 $0x4000, s8;
	s7 =	simm.s32 @!p0 $0x1B8D  }
0xb7: {  	s6 =	sshll.u32 @!p0 s6, $0x11;
	s8 =	sadd.s32 @!p0 $0x11B8D, s8;
	_ =	swait.eq @!p0 [sflag:s7], $0x1  }
0xb8: {  	s6 =	sor.u32 @!p0 s6, s8;
	[sflag:s7] =	ssyncadd.s32 @!p0 $0xFFFFFFFF  }
0xb9: {  	s25 =	simm.s32 $0x1B8E;
	s24 =	sld [smem:$0x3FFE];
	[sflag:s6] =	ssyncadd.remote.s32 @!p0 $0x1  }
0xba: {  	s26 =	simm.s32 $execute0_lowered;
	[smem:$0x3FD2] =	sst s25  }
0xbb: {  	s7 =	sshll.u32 s26, $0x1;
	_ =	strace $0x8000004C;
	[dreg:$0x1] =	wrdreg $0xFFFFFFFF  }
0xbc: {  	s28 =	simm.s32 $_size_execute0_lowered;
	s5 =	sadd.s32 s5, s7;
	[dreg:$0x0] =	wrdreg $0x0  }
0xbd: {  	s7 =	sshll.u32 s28, $0x1;
	[dreg:$0x2] =	wrdreg s5  }
0xbe: {  	[dreg:$0x3] =	wrdreg s7  }
0xbf: {  	[dreg:$0x4] =	wrdreg $0xC0  }
0xc0: {  	_ =	task [dreg:s22], $0x5FFFF  }
0xc1: {  	[dreg:$0x1] =	wrdreg $0xFFFFFFFF  }
0xc2: {  	[dreg:$0x0] =	wrdreg $0x60  }
0xc3: {  	[dreg:$0x2] =	wrdreg s24  }
0xc4: {  	[dreg:$0x3] =	wrdreg s17  }
0xc5: {  	[dreg:$0x4] =	wrdreg s18  }
0xc6: {  	[dreg:$0x5] =	wrdreg $0xA8000  }
0xc7: {  	[dreg:$0x6] =	wrdreg $0xA  }
0xc8: {  	_ =	task.clear_ibuf [dreg:s22], $0x7FFFF;
	_ =	strace $0x9000004C  }
0xc9: {  	s29 =	simm.s32 $0xA;
	_ =	strace $0x8000004E  }
0xca: {  	_ =	swait.ge [sflag:s29], $0x1  }
0xcb: {  	[sflag:s29] =	ssyncadd.s32 $0xFFFFFFFF  }
0xcc: {  	_ =	strace $0x9000004E  }
0xcd: {  	_ =	sfence  }
0xce: {  	s30 =	sld [smem:$0x0];
	_ =	sdelay $0x2  }
0xcf: {  	s31 =	sshll.u32 s1, $0xD;
	s1 =	sshrl.u32 s1, $0x2  }
0xd0: {  	s4 =	sand.u32 $0x4000, s31;
	s1 =	sadd.s32 s1, s30  }
0xd1: {  	s0 =	sor.u32 s4, s0;
	s1 =	sshll.u32 s1, $0x11  }
0xd2: {  	s0 =	sor.u32 s1, s0  }
0xd3: {  	s0 =	sadd.s32 $0x8F2B, s0  }
0xd4: {  	[sflag:s0] =	ssyncadd.remote.s32 $0x1  }
0xd5: {  	_ =	sfence.sel $0xFFFF  }
0xd6: {  	[dreg:$0x0] =	wrdreg $0xFFFFFFFF;
	(pc) =	sbr.abs _section_cstart, $3  }
0xd7: {  	[dreg:$0x1] =	wrdreg $0xFFFFFFFF  }
0xd8: {  	_ =	task.clear_ibuf [dreg:s22], $0x2FFFF;
	_ =	strace $0x9FFFFFFF  }
0xd9: {  	(tm) =	ssettm $0x7FFFFFFF  }
tec
execute0_lowered:
.L_overlay_start_1:
0x0: {  	(tag) =	ssettag $0x1  }
0x1: {  	s5 =	rddreg [dreg:$0x0]  }
0x2: {  	s6 =	rddreg [dreg:$0x1]  }
0x3: {  	s9 =	rddreg [dreg:$0x2]  }
0x4: {  	s2 =	rddreg [dreg:$0x3]  }
0x5: {  	s0 =	rddreg [dreg:$0x4];
	s4 =	srdreg.scid  }
0x6: {  	s1 =	stileid.u32;
	s3 =	simm.s32 $0x0;
	s15 =	simm.s32 $0x80  }
0x7: {  	s16 =	simm.s32 $0x1;
	s17 =	simm.s32 $0x2;
	s18 =	simm.s32 $0x2700  }
0x8: {  	s19 =	simm.s32 $0x2780;
	s20 =	simm.s32 $0x0;
	s10 =	smul.u32 $0x4F000, s1  }
0x9: {  	s7 =	sand.u32 $0x1, s4;
	s25 =	sshll.u32 s1, $0x1;
	s14 =	smul.u32 $0x50000, s1  }
0xa: {  	[smem:$0x7FF] =	sst s3;
	s4 =	sadd.s32 $0x15A00, s5;
	s31 =	smul.u32 $0x2780, s1  }
0xb: {  	s13 =	sadd.s32 $0xEED800, s5;
	s8 =	sor.u32 s7, s25;
	s29 =	smul.u32 $0x28000, s7  }
0xc: {  	_ =	strace $0x8000004D;
	s12 =	ssub.s32 $0x2, s7;
	s11 =	smul.u32 $0x500, s8  }
0xd: {  	s8 =	smul.u32 $0x28000, s8;
	s26 =	sshrl.u32 s12, $0x1;
	s28 =	sshrl.u32 s10, $0x2  }
0xe: {  	s30 =	smul.u32 $0x27800, s7;
	s12 =	ssub.s32 s12, s26;
	s5 =	sadd.s32 s28, s2  }
0xf: {  	s6 =	sadd.s32 s6, s11;
	s7 =	sadd.s32 s13, s8;
	s13 =	sadd.s32 s14, s13  }
0x10: {  	s8 =	smax.u32 s12, $0x1;
	s11 =	sadd.s32 s30, s9;
	s12 =	simm.s32 $0x2800  }
0x11: {  	s14 =	simm.s32 $0x6800;
	s10 =	sadd.s32 s29, s13;
	s9 =	sadd.s32 $0x27800, s7  }
0x12: {  	s11 =	sadd.s32 s31, s11;
	s13 =	simm.s32 $0x3;
	s10 =	sadd.s32 $0x1000, s10  }
.LBB2_1:
0x13: {  	[tilespmem:s12], [sflag:$0x3] =	stream.linear.gather [hbm4b:s4+s3], $0x4000, $0x38;
	[tilespmem:$0x1E400] =	vst v63  }
0x14: {  	_ =	swait.ge [sflag:s13], $0x4000  }
0x15: {  	[sflag:s13] =	ssyncset.done $0x0  }
0x16: {  	s21 =	sadd.s32 $0x0, s5;
	[sflag:s13] =	ssyncadd.s32 $0xFFFFC000  }
0x17: {  	[spmem:s21] =	stream.linear.scatter [tilespmem:s12], [sflag:$0x3], $0x400, $0x38;
	[tilespmem:$0x1E400] =	vst v63  }
0x18: {  	s21 =	simm.s32 $0x1000;
	_ =	swait.ge [sflag:s13], $0x400  }
.LBB2_2:
0x19: {  	s22 =	sshra.s32 s21, $0x2;
	[sflag:s13] =	ssyncset.done $0x0;
	p0 =	sne.s32 s21, $0x4E000  }
.Ltmp0:
0x1a: {  	s22 =	sadd.s32 s22, s5;
	[sflag:s13] =	ssyncadd.s32 $0xFFFFFC00;
	(pc) =	sbr.rel @p0 .LBB2_2-.Ltmp0, $3  }
0x1b: {  	[spmem:s22] =	stream.linear.scatter [tilespmem:s12], [sflag:$0x3], $0x400, $0x38;
	[tilespmem:$0x1E400] =	vst v63  }
0x1c: {  	s21 =	sadd.s32 $0x1000, s21;
	_ =	sdelay $0x1  }
0x1d: {  	_ =	swait.ge [sflag:s13], $0x400  }
0x1e: {  	[sflag:s13] =	ssyncset.done $0x0  }
0x1f: {  	[sflag:s13] =	ssyncadd.s32 $0xFFFFFC00  }
0x20: {  	s21 =	simm.s32 $0x0;
	[bflag:$0x0] =	sbarrier.arrive $0xFFFF  }
0x21: {  	[tilespmem:s21], [sflag:$0x3] =	stream.linear.gather [hbm4b:s6+s21], $0x2800, $0x38;
	[tilespmem:$0x1E400] =	vst v63  }
0x22: {  	_ =	swait.ge [sflag:s13], $0x2800  }
0x23: {  	[sflag:s13] =	ssyncset.done $0x0  }
0x24: {  	[sflag:s13] =	ssyncadd.s32 $0xFFFFD800  }
0x25: {  	[tilespmem:s12], [sflag:$0x3] =	stream.linear.gather [hbm4b:s7+s21], $0x4000, $0x38;
	[tilespmem:$0x1E400] =	vst v63  }
0x26: {  	_ =	swait.ge [sflag:s13], $0x4000  }
0x27: {  	[sflag:s13] =	ssyncset.done $0x0  }
0x28: {  	s29 =	sadd.s32 $0xFFFFF800, s10;
	[sflag:s13] =	ssyncadd.s32 $0xFFFFC000  }
0x29: {  	[tilespmem:s14], [sflag:$0x1] =	stream.linear.gather [hbm4b:s29+s3], $0x4000, $0x38;
	[tilespmem:$0x1E400] =	vst v63  }
0x2a: {  	s30 =	simm.s32 $0x0  }
0x2b: {  	[spmem:s2] =	stream.indirect.scatter.add.f32 [tilespmem:s12], [sflag:$0x3], $0x80, s30, s15, $0xb8;
	[tilespmem:$0x1E400] =	vst v63  }
0x2c: {  	_ =	swait.ge [sflag:s13], $0x4000  }
0x2d: {  	[sflag:s13] =	ssyncset.done $0x0  }
0x2e: {  	[sflag:s13] =	ssyncadd.s32 $0xFFFFC000  }
0x2f: {  	_ =	swait.ge [sflag:s16], $0x4000  }
0x30: {  	[sflag:s16] =	ssyncset.done $0x0  }
0x31: {  	[sflag:s16] =	ssyncadd.s32 $0xFFFFC000  }
0x32: {  	[tilespmem:s12], [sflag:$0x2] =	stream.linear.gather [hbm4b:s10+s3], $0x4000, $0x38;
	[tilespmem:$0x1E400] =	vst v63  }
0x33: {  	s31 =	simm.s32 $0x80  }
0x34: {  	[spmem:s2] =	stream.indirect.scatter.add.f32 [tilespmem:s14], [sflag:$0x3], $0x80, s31, s15, $0xb8;
	[tilespmem:$0x1E400] =	vst v63  }
0x35: {  	_ =	swait.ge [sflag:s13], $0x4000  }
0x36: {  	[sflag:s13] =	ssyncset.done $0x0  }
0x37: {  	[sflag:s13] =	ssyncadd.s32 $0xFFFFC000  }
0x38: {  	s22 =	simm.s32 $0x400;
	_ =	swait.ge [sflag:s17], $0x4000  }
0x39: {  	s23 =	simm.s32 $0x800;
	s21 =	sadd.s32 $0x1000, s10;
	[sflag:s17] =	ssyncset.done $0x0  }
.LBB2_4:
0x3a: {  	p0 =	sne.s32 s23, $0x9800;
	s24 =	sadd.s32 $0xFFFFF800, s21;
	[sflag:s17] =	ssyncadd.s32 $0xFFFFC000  }
0x3b: {  	[tilespmem:s14], [sflag:$0x1] =	stream.linear.gather [hbm4b:s24+s3], $0x4000, $0x38;
	[tilespmem:$0x1E400] =	vst v63  }
0x3c: {  	s24 =	sshra.s32 s22, $0x2;
	s22 =	smov.u32 s23;
	s23 =	sadd.s32 $0x400, s23  }
0x3d: {  	[spmem:s2] =	stream.indirect.scatter.add.f32 [tilespmem:s12], [sflag:$0x3], $0x80, s24, s15, $0xb8;
	[tilespmem:$0x1E400] =	vst v63  }
0x3e: {  	_ =	swait.ge [sflag:s13], $0x4000  }
0x3f: {  	[sflag:s13] =	ssyncset.done $0x0  }
0x40: {  	[sflag:s13] =	ssyncadd.s32 $0xFFFFC000  }
0x41: {  	_ =	swait.ge [sflag:s16], $0x4000  }
0x42: {  	[sflag:s16] =	ssyncset.done $0x0  }
0x43: {  	[sflag:s16] =	ssyncadd.s32 $0xFFFFC000  }
0x44: {  	[tilespmem:s12], [sflag:$0x2] =	stream.linear.gather [hbm4b:s21+s3], $0x4000, $0x38;
	[tilespmem:$0x1E400] =	vst v63  }
0x45: {  	s24 =	sadd.s32 $0x80, s24  }
0x46: {  	[spmem:s2] =	stream.indirect.scatter.add.f32 [tilespmem:s14], [sflag:$0x3], $0x80, s24, s15, $0xb8;
	[tilespmem:$0x1E400] =	vst v63  }
.Ltmp1:
0x47: {  	_ =	swait.ge [sflag:s13], $0x4000;
	(pc) =	sbr.rel @p0 .LBB2_4-.Ltmp1, $4  }
0x48: {  	[sflag:s13] =	ssyncset.done $0x0  }
0x49: {  	[sflag:s13] =	ssyncadd.s32 $0xFFFFC000  }
0x4a: {  	_ =	swait.ge [sflag:s17], $0x4000  }
0x4b: {  	s21 =	sadd.s32 $0x1000, s21;
	[sflag:s17] =	ssyncset.done $0x0  }
0x4c: {  	s23 =	sadd.s32 $0xFFFFF800, s21;
	[sflag:s17] =	ssyncadd.s32 $0xFFFFC000  }
0x4d: {  	[tilespmem:s14], [sflag:$0x1] =	stream.linear.gather [hbm4b:s23+s3], $0x4000, $0x38;
	[tilespmem:$0x1E400] =	vst v63  }
0x4e: {  	s22 =	sshra.s32 s22, $0x2  }
0x4f: {  	[spmem:s2] =	stream.indirect.scatter.add.f32 [tilespmem:s12], [sflag:$0x3], $0x80, s22, s15, $0xb8;
	[tilespmem:$0x1E400] =	vst v63  }
0x50: {  	_ =	swait.ge [sflag:s13], $0x4000  }
0x51: {  	[sflag:s13] =	ssyncset.done $0x0  }
0x52: {  	[sflag:s13] =	ssyncadd.s32 $0xFFFFC000  }
0x53: {  	_ =	swait.ge [sflag:s16], $0x4000  }
0x54: {  	[sflag:s16] =	ssyncset.done $0x0  }
0x55: {  	[sflag:s16] =	ssyncadd.s32 $0xFFFFC000  }
0x56: {  	[tilespmem:s12], [sflag:$0x2] =	stream.linear.gather [hbm4b:s21+s3], $0x4000, $0x38;
	[tilespmem:$0x1E400] =	vst v63  }
0x57: {  	s29 =	sadd.s32 $0x80, s22  }
0x58: {  	[spmem:s2] =	stream.indirect.scatter.add.f32 [tilespmem:s14], [sflag:$0x3], $0x80, s29, s15, $0xb8;
	[tilespmem:$0x1E400] =	vst v63  }
0x59: {  	_ =	swait.ge [sflag:s13], $0x4000  }
0x5a: {  	[sflag:s13] =	ssyncset.done $0x0  }
0x5b: {  	[sflag:s13] =	ssyncadd.s32 $0xFFFFC000  }
0x5c: {  	_ =	swait.ge [sflag:s17], $0x4000  }
0x5d: {  	[sflag:s17] =	ssyncset.done $0x0  }
0x5e: {  	s30 =	simm.s32 $0x0;
	[sflag:s17] =	ssyncadd.s32 $0xFFFFC000  }
0x5f: {  	[tilespmem:s14], [sflag:$0x1] =	stream.linear.gather [hbm4b:s9+s30], $0x4000, $0x38;
	[tilespmem:$0x1E400] =	vst v63  }
0x60: {  	_ = 	snop  }
0x61: {  	[spmem:s2] =	stream.indirect.scatter.add.f32 [tilespmem:s12], [sflag:$0x3], $0x80, s18, s15, $0xb8;
	[tilespmem:$0x1E400] =	vst v63  }
0x62: {  	_ =	swait.ge [sflag:s13], $0x4000  }
0x63: {  	[sflag:s13] =	ssyncset.done $0x0  }
0x64: {  	[sflag:s13] =	ssyncadd.s32 $0xFFFFC000  }
0x65: {  	_ =	swait.ge [sflag:s16], $0x4000  }
0x66: {  	[sflag:s16] =	ssyncset.done $0x0  }
0x67: {  	[sflag:s16] =	ssyncadd.s32 $0xFFFFC000  }
0x68: {  	[spmem:s2] =	stream.indirect.scatter.add.f32 [tilespmem:s14], [sflag:$0x3], $0x80, s19, s15, $0xb8;
	[tilespmem:$0x1E400] =	vst v63  }
0x69: {  	_ =	swait.ge [sflag:s13], $0x4000  }
0x6a: {  	[sflag:s13] =	ssyncset.done $0x0  }
0x6b: {  	[sflag:s13] =	ssyncadd.s32 $0xFFFFC000  }
0x6c: {  	[bflag:$0x0] =	sbarrier.arrive $0xFFFF  }
0x6d: {  	[tilespmem:s12], [sflag:$0x3] =	stream.linear.gather [spmem:s5], $0x400, $0x38;
	[tilespmem:$0x1E400] =	vst v63  }
0x6e: {  	_ =	swait.ge [sflag:s13], $0x400  }
0x6f: {  	[sflag:s13] =	ssyncset.done $0x0  }
0x70: {  	s31 =	sadd.s32 $0x0, s11;
	[sflag:s13] =	ssyncadd.s32 $0xFFFFFC00  }
0x71: {  	[hbm4b:s31+s3] =	stream.linear.scatter [tilespmem:s12], [sflag:$0x3], $0x400, $0x38;
	[tilespmem:$0x1E400] =	vst v63  }
0x72: {  	_ =	swait.ge [sflag:s13], $0x400  }
0x73: {  	s22 =	smov.u32 s5;
	s21 =	simm.s32 $0x80;
	[sflag:s13] =	ssyncset.done $0x0  }
.LBB2_6:
0x74: {  	p0 =	sne.s32 s21, $0x2700;
	[sflag:s13] =	ssyncadd.s32 $0xFFFFFC00;
	s22 =	sadd.s32 $0x400, s22  }
0x75: {  	[tilespmem:s12], [sflag:$0x3] =	stream.linear.gather [spmem:s22], $0x400, $0x38;
	[tilespmem:$0x1E400] =	vst v63  }
0x76: {  	s23 =	smov.u32 s21;
	s21 =	sadd.s32 $0x80, s21;
	_ =	swait.ge [sflag:s13], $0x400  }
.Ltmp2:
0x77: {  	[sflag:s13] =	ssyncset.done $0x0;
	(pc) =	sbr.rel @p0 .LBB2_6-.Ltmp2, $4  }
0x78: {  	s23 =	sadd.s32 s23, s11;
	[sflag:s13] =	ssyncadd.s32 $0xFFFFFC00  }
0x79: {  	[hbm4b:s23+s3] =	stream.linear.scatter [tilespmem:s12], [sflag:$0x3], $0x400, $0x38;
	[tilespmem:$0x1E400] =	vst v63  }
0x7a: {  	_ =	swait.ge [sflag:s13], $0x400  }
0x7b: {  	[sflag:s13] =	ssyncset.done $0x0  }
0x7c: {  	s20 =	sadd.s32 $0x1, s20  }
0x7d: {  	p0 =	sne.s32 s20, s8  }
.Ltmp3:
0x7e: {  	_ = 	snop;
	(pc) =	sbr.rel @p0 .LBB2_1-.Ltmp3, $2  }
0x7f: {  	_ =	sdelay $0x2  }
0x80: {  	[sflag:s13] =	ssyncadd.s32 $0xFFFFFC00  }
0x81: {  	_ =	sfence.sel $0x180000  }
0x82: {  	[bflag:$0x0] =	sbarrier.arrive $0xFFFF  }
0x83: {  	p0 =	sne.s32 s1, $0x0;
	_ =	strace $0x9000004D  }
0x84: {  	s0 =	sadd.s32 @!p0 $0x100000, s0;
	[bflag:$0x2] =	sbarrier.arrive $0xFFFF  }
0x85: {  	[sflag:s0] =	ssyncadd.tile.s32 @!p0 $0x1;
	_ =	shalt  }
.Lfunc_end2:
_tile_overlayer_lowered:
.L_overlay_start_2:
0x86: {  	(tag) =	ssettag $0x2  }
0x87: {  	s0 =	rddreg [dreg:$0x0];
	s2 =	stileid.u32  }
0x88: {  	s1 =	rddreg [dreg:$0x1];
	p0 =	sne.s32 s2, $0x0  }
0x89: {  	s3 =	rddreg [dreg:$0x2];
	[bflag:$0x3] =	sbarrier.arrive $0xFFFF;
	s2 =	simm.s32 @!p0 $0x1C03  }
0x8a: {  	[timem:s3], [sflag:s2] =	dma.local @!p0 [hbm:s0], s1  }
0x8b: {  	s0 =	simm.s32 @!p0 $0x3  }
0x8c: {  	_ =	swait.ge @!p0 [sflag:s0], s1  }
0x8d: {  	s1 =	ssub.s32 @!p0 $0x0, s1;
	[sflag:s0] =	ssyncset.done @!p0 $0x0  }
0x8e: {  	[sflag:s0] =	ssyncadd.s32 @!p0 s1  }
0x8f: {  	[bflag:$0x3] =	sbarrier.arrive $0xFFFF  }
0x90: {  	_ =	shalt  }

// kernel: kernel.7.cloned.1.call-start
scs
__scs_entry_jumppad:
0x0: {  	(pc) =	sbr.rel $0x88, $3  }
0x1: {  	(tag) =	ssettag $0x0;
	lr =	simm.s32 $0x1  }
0x2: {  	[smem:$0x3F92] =	sst lr;
	_ =	strace $0xD0000000  }
0x3: {  	_ = 	snop  }
0x4: {  	_ = 	snop  }
0x5: {  	_ = 	snop  }
0x6: {  	_ = 	snop  }
0x7: {  	_ = 	snop  }
__scs_overlays_trampoline_lowered:
0x8: {  	[smem:$0x3FA1] =	sst s0  }
0x9: {  	[smem:$0x3FA2] =	sst s1  }
0xa: {  	[smem:$0x3FA3] =	sst s2  }
0xb: {  	[smem:$0x3FA4] =	sst s3  }
0xc: {  	[smem:$0x3FA5] =	sst s4  }
0xd: {  	[smem:$0x3FA6] =	sst s5  }
0xe: {  	[smem:$0x3FA7] =	sst s6  }
0xf: {  	[smem:$0x3FA8] =	sst s7  }
0x10: {  	[smem:$0x3FA9] =	sst s8  }
0x11: {  	[smem:$0x3FAA] =	sst s9;
	s0 =	simm.s32 @!p0 $0x0  }
0x12: {  	s1 =	sld [smem:$0x3F90];
	s0 =	simm.s32 @p0 $0x1  }
0x13: {  	[smem:$0x3FAB] =	sst s0;
	s0 =	simm.s32 @!p1 $0x0  }
0x14: {  	s2 =	sld [smem:$0x3F8F];
	s0 =	simm.s32 @p1 $0x1  }
0x15: {  	[smem:$0x3FAC] =	sst s0;
	s0 =	simm.s32 @!p2 $0x0  }
0x16: {  	s3 =	sld [smem:$0x3FDB];
	s0 =	simm.s32 @p2 $0x1  }
0x17: {  	s4 =	simm.s32 $0x1BF5;
	[smem:$0x3FAE] =	sst s0  }
0x18: {  	s0 =	sld [smem:$0x3F91];
	_ =	swait.ge [sflag:s4], $0x0  }
0x19: {  	s7 =	sld [smem:$0x3F92]  }
0x1a: {  	s8 =	sadd.s32 $0xFFFFE003, lr  }
0x1b: {  	s9 =	sadd.s32 $0xFFFFFEF7, lr;
	s5 =	simm.s32 $0xFFFFFFFF;
	p2 =	slt.u32 s8, $0xFFFFF086  }
0x1c: {  	p1 =	slt.u32 s9, $0xF7A;
	s5 =	simm.s32 @!p2 $0x0  }
0x1d: {  	s5 =	simm.s32 @p1 $0x1;
	p0 =	seq.s32 s7, s2  }
0x1e: {  	s7 =	smul.u32 @!p0 $0xF7A, s2;
	p2 =	seq.s32 @!p0 s5, $0x0  }
0x1f: {  	s9 =	smul.u32 $0xF7A, s1;
	s8 =	simm.s32 @!p0 $0x1BF5;
	p2 =	por !p2, p0  }
0x20: {  	[sflag:s8] =	ssyncset.s32 @!p0 $0xFFFFF086;
	s6 =	sadd.s32 @!p0 s3, s7;
	s7 =	simm.s32 @!p0 $0x108  }
0x21: {  	s3 =	sadd.s32 s3, s9;
	s6 =	sadd.s32 @!p0 $0x88, s6;
	s7 =	simm.s32 @p2 $0x1082  }
0x22: {  	[simem:s7], [sflag:s8] =	dma.local @!p0 [hbm:s6], $0xF7A  }
0x23: {  	s9 =	sor.u32 $0xD0000000, s2;
	s6 =	simm.s32 $0x108;
	_ =	swait.ge @!p0 [sflag:s8], $0x0  }
0x24: {  	s3 =	sadd.s32 $0x88, s3;
	s6 =	simm.s32 @!p1 $0x1082;
	[sflag:s4] =	ssyncset.s32 $0xFFFFF086  }
0x25: {  	[simem:s6], [sflag:s4] =	dma.local [hbm:s3], $0xF7A  }
0x26: {  	[smem:$0x3F92] =	sst s1;
	(tag) =	ssettag s2;
	_ =	strace s9  }
0x27: {  	s1 =	sld [smem:$0x3FA2]  }
0x28: {  	s2 =	sld [smem:$0x3FA3]  }
0x29: {  	s4 =	sld [smem:$0x3FA5]  }
0x2a: {  	p0 =	seq.s32 s5, $0x0;
	s5 =	sld [smem:$0x3FA6]  }
0x2b: {  	s6 =	sld [smem:$0x3FA7]  }
0x2c: {  	s7 =	sld [smem:$0x3FA8]  }
0x2d: {  	s3 =	simm.s32 $0x108;
	s8 =	sld [smem:$0x3FA9]  }
0x2e: {  	s3 =	simm.s32 @!p0 $0x1082;
	s9 =	sld [smem:$0x3FAA]  }
0x2f: {  	lr =	sadd.s32 s0, s3;
	s0 =	sld [smem:$0x3FA1]  }
0x30: {  	s3 =	sld [smem:$0x3FA4]  }
0x31: {  	[smem:$0x3FAD] =	sst s10  }
0x32: {  	s10 =	sld [smem:$0x3FAB];
	_ =	sdelay $0x3  }
0x33: {  	p0 =	seq.s32 s10, $0x1;
	s10 =	sld [smem:$0x3FAD];
	_ =	sdelay $0x3  }
0x34: {  	[smem:$0x3FAD] =	sst s10  }
0x35: {  	s10 =	sld [smem:$0x3FAC];
	_ =	sdelay $0x3  }
0x36: {  	p1 =	seq.s32 s10, $0x1;
	s10 =	sld [smem:$0x3FAD];
	_ =	sdelay $0x3  }
0x37: {  	[smem:$0x3FAD] =	sst s10  }
0x38: {  	s10 =	sld [smem:$0x3FAE]  }
0x39: {  	_ = 	snop;
	(pc) =	sbr.ind lr, $3  }
0x3a: {  	_ = 	snop  }
0x3b: {  	_ = 	snop  }
0x3c: {  	p2 =	seq.s32 s10, $0x1;
	s10 =	sld [smem:$0x3FAD]  }
0x3d: {  	_ =	shalt  }
0x3e: {  	_ =	shalt  }
0x3f: {  	_ =	shalt  }
0x40: {  	_ =	shalt  }
0x41: {  	_ =	shalt  }
0x42: {  	_ =	shalt  }
0x43: {  	_ =	shalt  }
0x44: {  	_ =	shalt  }
0x45: {  	_ =	shalt  }
0x46: {  	_ =	shalt  }
0x47: {  	_ =	shalt  }
0x48: {  	_ =	shalt  }
0x49: {  	_ =	shalt  }
0x4a: {  	_ =	shalt  }
0x4b: {  	_ =	shalt  }
0x4c: {  	_ =	shalt  }
0x4d: {  	_ =	shalt  }
0x4e: {  	_ =	shalt  }
0x4f: {  	_ =	shalt  }
0x50: {  	_ =	shalt  }
0x51: {  	_ =	shalt  }
0x52: {  	_ =	shalt  }
0x53: {  	_ =	shalt  }
0x54: {  	_ =	shalt  }
0x55: {  	_ =	shalt  }
0x56: {  	_ =	shalt  }
0x57: {  	_ =	shalt  }
0x58: {  	_ =	shalt  }
0x59: {  	_ =	shalt  }
0x5a: {  	_ =	shalt  }
0x5b: {  	_ =	shalt  }
0x5c: {  	_ =	shalt  }
0x5d: {  	_ =	shalt  }
0x5e: {  	_ =	shalt  }
0x5f: {  	_ =	shalt  }
0x60: {  	_ =	shalt  }
0x61: {  	_ =	shalt  }
0x62: {  	_ =	shalt  }
0x63: {  	_ =	shalt  }
0x64: {  	_ =	shalt  }
0x65: {  	_ =	shalt  }
0x66: {  	_ =	shalt  }
0x67: {  	_ =	shalt  }
0x68: {  	_ =	shalt  }
0x69: {  	_ =	shalt  }
0x6a: {  	_ =	shalt  }
0x6b: {  	_ =	shalt  }
0x6c: {  	_ =	shalt  }
0x6d: {  	_ =	shalt  }
0x6e: {  	_ =	shalt  }
0x6f: {  	_ =	shalt  }
0x70: {  	_ =	shalt  }
0x71: {  	_ =	shalt  }
0x72: {  	_ =	shalt  }
0x73: {  	_ =	shalt  }
0x74: {  	_ =	shalt  }
0x75: {  	_ =	shalt  }
0x76: {  	_ =	shalt  }
0x77: {  	_ =	shalt  }
0x78: {  	_ =	shalt  }
0x79: {  	_ =	shalt  }
0x7a: {  	_ =	shalt  }
0x7b: {  	_ =	shalt  }
0x7c: {  	_ =	shalt  }
0x7d: {  	_ =	shalt  }
0x7e: {  	_ =	shalt  }
0x7f: {  	_ =	shalt  }
0x80: {  	_ =	shalt  }
0x81: {  	_ =	shalt  }
0x82: {  	_ =	shalt  }
0x83: {  	_ =	shalt  }
0x84: {  	_ =	shalt  }
0x85: {  	_ =	shalt  }
0x86: {  	_ =	shalt  }
0x87: {  	_ =	shalt  }
.Lfunc_end0:
.L_simem_size_0:
called_computation.1_lowered:
.L_overlay_start_0:
0x88: {  	s2 =	sld [smem:$0x3FD9]  }
0x89: {  	s3 =	sld [smem:$0x3FFE];
	_ =	sdelay $0x1  }
0x8a: {  	s1 =	srdreg.scid  }
0x8b: {  	s0 =	sand.u32 $0x1, s1  }
0x8c: {  	s14 =	sshll.u32 s0, $0xA;
	s2 =	sadd.s32 s3, s2  }
0x8d: {  	s2 =	sadd.s32 s2, s14  }
0x8e: {  	[smem:$0x3FB9] =	sst s2  }
0x8f: {  	_ = 	snop  }
0x90: {  	s2 =	sld [smem:$0x3FD0];
	_ =	sdelay $0x2  }
0x91: {  	s4 =	simm.s32 $0xB;
	s5 =	simm.s32 $0x10;
	s15 =	sld [smem:$0x3FC9]  }
0x92: {  	[smem:s5], [sflag:s4] =	dma.local [hbm:s2], $0x1  }
0x93: {  	_ =	swait.eq [sflag:s4], $0x1  }
0x94: {  	[sflag:s4] =	ssyncset.done $0x0  }
0x95: {  	[sflag:s4] =	ssyncadd.s32 $0xFFFFFFFF  }
0x96: {  	s16 =	sld [smem:$0x11];
	(tm) =	ssettm $0x1  }
0x97: {  	s17 =	sld [smem:$0x3FFB];
	_ =	sdelay $0x3  }
0x98: {  	_ =	strace s17  }
0x99: {  	s4 =	sld [smem:$0x3FFC];
	_ =	sdelay $0x3  }
0x9a: {  	_ =	strace s4  }
0x9b: {  	s4 =	sld [smem:$0x3FFD];
	_ =	sdelay $0x3  }
0x9c: {  	_ =	strace s4  }
0x9d: {  	_ =	strace $0x8FFFFFFF  }
0x9e: {  	s18 =	sld [smem:$0x3FDB];
	_ =	sdelay $0x1  }
0x9f: {  	s19 =	simm.s32 $_scs_section_size  }
0xa0: {  	s6 =	simm.s32 $_size__tile_overlayer_lowered;
	s7 =	simm.s32 $_tile_overlayer_lowered  }
0xa1: {  	s22 =	simm.s32 $0x1BFF;
	s21 =	sshll.u32 s7, $0x1;
	s4 =	sadd.s32 s19, s18  }
0xa2: {  	s8 =	simm.s32 $0x0;
	s20 =	sshll.u32 s6, $0x1;
	s6 =	sadd.s32 s21, s4  }
0xa3: {  	[timem:s8], [sflag:s22] =	dma.local [hbm:s6], s20  }
0xa4: {  	_ =	swait.ge [sflag:s22], s20  }
0xa5: {  	s5 =	ssub.s32 $0x0, s20;
	[sflag:s22] =	ssyncset.done $0x0  }
0xa6: {  	[sflag:s22] =	ssyncadd.s32 s5;
	_ =	sdelay $0x1  }
0xa7: {  	s23 =	simm.s32 $0x1B8B  }
0xa8: {  	_ =	swait.ge [sflag:s23], $0x1  }
0xa9: {  	[sflag:s23] =	ssyncset.done $0x0  }
0xaa: {  	s25 =	simm.s32 $0x1B8E;
	s24 =	sld [smem:$0x3FFE];
	[sflag:s23] =	ssyncadd.s32 $0xFFFFFFFF  }
0xab: {  	s26 =	simm.s32 $execute0_lowered;
	[smem:$0x3FD2] =	sst s25  }
0xac: {  	s6 =	sshll.u32 s26, $0x1;
	_ =	strace $0x80000046;
	[dreg:$0x1] =	wrdreg $0xFFFFFFFF  }
0xad: {  	s28 =	simm.s32 $_size_execute0_lowered;
	s4 =	sadd.s32 s4, s6;
	[dreg:$0x0] =	wrdreg $0x0  }
0xae: {  	s6 =	sshll.u32 s28, $0x1;
	[dreg:$0x2] =	wrdreg s4  }
0xaf: {  	[dreg:$0x3] =	wrdreg s6  }
0xb0: {  	[dreg:$0x4] =	wrdreg $0xC0  }
0xb1: {  	_ =	task [dreg:s8], $0x5FFFF  }
0xb2: {  	[dreg:$0x1] =	wrdreg $0xFFFFFFFF  }
0xb3: {  	[dreg:$0x0] =	wrdreg $0x60  }
0xb4: {  	[dreg:$0x2] =	wrdreg s15  }
0xb5: {  	[dreg:$0x3] =	wrdreg s16  }
0xb6: {  	[dreg:$0x4] =	wrdreg s24  }
0xb7: {  	[dreg:$0x5] =	wrdreg $0x9  }
0xb8: {  	_ =	task.clear_ibuf [dreg:s8], $0x6FFFF;
	_ =	strace $0x90000046  }
0xb9: {  	s29 =	simm.s32 $0x9;
	_ =	strace $0x80000048  }
0xba: {  	_ =	swait.ge [sflag:s29], $0x1  }
0xbb: {  	[sflag:s29] =	ssyncadd.s32 $0xFFFFFFFF  }
0xbc: {  	_ =	strace $0x90000048  }
0xbd: {  	_ =	sfence  }
0xbe: {  	s30 =	sld [smem:$0x0];
	_ =	sdelay $0x2  }
0xbf: {  	s31 =	sshll.u32 s1, $0xD;
	s1 =	sshrl.u32 s1, $0x2  }
0xc0: {  	s3 =	sand.u32 $0x4000, s31;
	s1 =	sadd.s32 s1, s30  }
0xc1: {  	s0 =	sor.u32 s3, s0;
	s1 =	sshll.u32 s1, $0x11  }
0xc2: {  	s0 =	sor.u32 s1, s0  }
0xc3: {  	s0 =	sadd.s32 $0x8F2B, s0  }
0xc4: {  	[sflag:s0] =	ssyncadd.remote.s32 $0x1  }
0xc5: {  	_ =	sfence.sel $0xFFFF  }
0xc6: {  	[dreg:$0x0] =	wrdreg $0xFFFFFFFF;
	(pc) =	sbr.abs _section_cstart, $3  }
0xc7: {  	[dreg:$0x1] =	wrdreg $0xFFFFFFFF  }
0xc8: {  	_ =	task.clear_ibuf [dreg:s8], $0x2FFFF;
	_ =	strace $0x9FFFFFFF  }
0xc9: {  	(tm) =	ssettm $0x7FFFFFFF  }
tec
execute0_lowered:
.L_overlay_start_1:
0x0: {  	(tag) =	ssettag $0x1  }
0x1: {  	s1 =	rddreg [dreg:$0x0]  }
0x2: {  	s2 =	srdreg.scid;
	s4 =	rddreg [dreg:$0x1]  }
0x3: {  	s0 =	stileid.u32;
	s7 =	rddreg [dreg:$0x2];
	s3 =	simm.s32 $0x0  }
0x4: {  	s13 =	simm.s32 $0x1;
	s14 =	simm.s32 $0x6800;
	s15 =	simm.s32 $0x2  }
0x5: {  	s16 =	simm.s32 $0x3;
	s17 =	simm.s32 $0x4;
	s10 =	smul.u32 $0xA0, s0  }
0x6: {  	s18 =	simm.s32 $0x0;
	s5 =	sand.u32 $0x1, s2;
	s28 =	smul.u32 $0x50000, s0  }
0x7: {  	s26 =	sshll.u32 s0, $0x1;
	s2 =	rddreg [dreg:$0x3];
	s12 =	smul.u32 $0x50, s5  }
0x8: {  	[smem:$0x7FF] =	sst s3;
	s6 =	sor.u32 s5, s26;
	s30 =	smul.u32 $0x28000, s5  }
0x9: {  	s7 =	sadd.s32 $0xB600, s7;
	s9 =	ssub.s32 $0x2, s5;
	s8 =	smul.u32 $0x500, s6  }
0xa: {  	_ =	strace $0x80000047;
	s6 =	smul.u32 $0x28000, s6;
	s11 =	sshrl.u32 s9, $0x1  }
0xb: {  	s31 =	sadd.s32 s28, s7;
	s9 =	ssub.s32 s9, s11;
	s29 =	sadd.s32 s12, s10  }
0xc: {  	s10 =	simm.s32 $0x5;
	s11 =	simm.s32 $0x80;
	s12 =	simm.s32 $0x2800  }
0xd: {  	s4 =	sadd.s32 s4, s8;
	s5 =	smax.u32 s9, $0x1;
	s8 =	sshll.u32 s29, $0xB  }
0xe: {  	s6 =	sadd.s32 s7, s6;
	s9 =	sadd.s32 s30, s31;
	s8 =	sadd.s32 s8, s7  }
0xf: {  	s7 =	sadd.s32 $0x800, s6;
	s9 =	sadd.s32 $0x1000, s9;
	s8 =	sadd.s32 $0x1800, s8  }
.LBB2_1:
0x10: {  	[tilespmem:s3], [sflag:$0x5] =	stream.linear.gather [hbm4b:s4+s3], $0x2800, $0x38;
	[tilespmem:$0xA800] =	vst v63  }
0x11: {  	_ =	swait.ge [sflag:s10], $0x2800  }
0x12: {  	[sflag:s10] =	ssyncset.done $0x0  }
0x13: {  	[sflag:s10] =	ssyncadd.s32 $0xFFFFD800  }
0x14: {  	[tilespmem:s12], [sflag:$0x1] =	stream.indirect.gather [hbm4b:s1+s11], $0x80, s3, s11, $0xb8;
	[tilespmem:$0xA800] =	vst v63  }
0x15: {  	_ =	swait.ge [sflag:s13], $0x4000  }
0x16: {  	[sflag:s13] =	ssyncset.done $0x0  }
0x17: {  	[sflag:s13] =	ssyncadd.s32 $0xFFFFC000  }
0x18: {  	[hbm4b:s6+s3] =	stream.linear.scatter [tilespmem:s12], [sflag:$0x3], $0x4000, $0x38;
	[tilespmem:$0xA800] =	vst v63  }
0x19: {  	_ = 	snop  }
0x1a: {  	[tilespmem:s14], [sflag:$0x2] =	stream.indirect.gather [hbm4b:s1+s11], $0x80, s11, s11, $0xb8;
	[tilespmem:$0xA800] =	vst v63  }
0x1b: {  	_ =	swait.ge [sflag:s15], $0x4000  }
0x1c: {  	[sflag:s15] =	ssyncset.done $0x0  }
0x1d: {  	[sflag:s15] =	ssyncadd.s32 $0xFFFFC000  }
0x1e: {  	[hbm4b:s7+s3] =	stream.linear.scatter [tilespmem:s14], [sflag:$0x4], $0x4000, $0x38;
	[tilespmem:$0xA800] =	vst v63  }
0x1f: {  	_ =	swait.ge [sflag:s16], $0x4000  }
0x20: {  	[sflag:s16] =	ssyncset.done $0x0  }
0x21: {  	s19 =	simm.s32 $0x100;
	[sflag:s16] =	ssyncadd.s32 $0xFFFFC000  }
0x22: {  	[tilespmem:s12], [sflag:$0x1] =	stream.indirect.gather [hbm4b:s1+s11], $0x80, s19, s11, $0xb8;
	[tilespmem:$0xA800] =	vst v63  }
0x23: {  	_ =	swait.ge [sflag:s13], $0x4000  }
0x24: {  	[sflag:s13] =	ssyncset.done $0x0  }
0x25: {  	s30 =	sadd.s32 $0x0, s9;
	[sflag:s13] =	ssyncadd.s32 $0xFFFFC000  }
0x26: {  	[hbm4b:s30+s3] =	stream.linear.scatter [tilespmem:s12], [sflag:$0x3], $0x4000, $0x38;
	[tilespmem:$0xA800] =	vst v63  }
0x27: {  	_ =	swait.ge [sflag:s17], $0x4000  }
0x28: {  	[sflag:s17] =	ssyncset.done $0x0  }
0x29: {  	s31 =	simm.s32 $0x180;
	[sflag:s17] =	ssyncadd.s32 $0xFFFFC000  }
0x2a: {  	[tilespmem:s14], [sflag:$0x2] =	stream.indirect.gather [hbm4b:s1+s11], $0x80, s31, s11, $0xb8;
	[tilespmem:$0xA800] =	vst v63  }
0x2b: {  	_ =	swait.ge [sflag:s15], $0x4000  }
0x2c: {  	s21 =	sadd.s32 $0x0, s8;
	[sflag:s15] =	ssyncset.done $0x0  }
0x2d: {  	s20 =	simm.s32 $0x200;
	s19 =	simm.s32 $0x1000;
	[sflag:s15] =	ssyncadd.s32 $0xFFFFC000  }
.LBB2_2:
0x2e: {  	[hbm4b:s21+s3] =	stream.linear.scatter [tilespmem:s14], [sflag:$0x4], $0x4000, $0x38;
	[tilespmem:$0xA800] =	vst v63  }
0x2f: {  	s21 =	smov.u32 s19  }
0x30: {  	p0 =	sne.s32 s19, $0x26000;
	s19 =	sadd.s32 $0x1000, s19;
	_ =	swait.ge [sflag:s16], $0x4000  }
0x31: {  	[sflag:s16] =	ssyncset.done $0x0  }
0x32: {  	[sflag:s16] =	ssyncadd.s32 $0xFFFFC000  }
0x33: {  	[tilespmem:s12], [sflag:$0x1] =	stream.indirect.gather [hbm4b:s1+s11], $0x80, s20, s11, $0xb8;
	[tilespmem:$0xA800] =	vst v63  }
0x34: {  	_ =	swait.ge [sflag:s13], $0x4000  }
0x35: {  	[sflag:s13] =	ssyncset.done $0x0  }
0x36: {  	s22 =	sadd.s32 s21, s9;
	[sflag:s13] =	ssyncadd.s32 $0xFFFFC000  }
0x37: {  	[hbm4b:s22+s3] =	stream.linear.scatter [tilespmem:s12], [sflag:$0x3], $0x4000, $0x38;
	[tilespmem:$0xA800] =	vst v63  }
0x38: {  	_ =	swait.ge [sflag:s17], $0x4000  }
0x39: {  	[sflag:s17] =	ssyncset.done $0x0  }
.Ltmp0:
0x3a: {  	s22 =	sadd.s32 $0x80, s20;
	[sflag:s17] =	ssyncadd.s32 $0xFFFFC000;
	(pc) =	sbr.rel @p0 .LBB2_2-.Ltmp0, $4  }
0x3b: {  	[tilespmem:s14], [sflag:$0x2] =	stream.indirect.gather [hbm4b:s1+s11], $0x80, s22, s11, $0xb8;
	[tilespmem:$0xA800] =	vst v63  }
0x3c: {  	_ =	swait.ge [sflag:s15], $0x4000  }
0x3d: {  	[sflag:s15] =	ssyncset.done $0x0  }
0x3e: {  	s21 =	sadd.s32 s21, s8;
	s20 =	sadd.s32 $0x100, s20;
	[sflag:s15] =	ssyncadd.s32 $0xFFFFC000  }
0x3f: {  	[hbm4b:s21+s3] =	stream.linear.scatter [tilespmem:s14], [sflag:$0x4], $0x4000, $0x38;
	[tilespmem:$0xA800] =	vst v63  }
0x40: {  	s18 =	sadd.s32 $0x1, s18  }
0x41: {  	_ =	swait.ge [sflag:s16], $0x4000;
	p0 =	sne.s32 s18, s5  }
.Ltmp1:
0x42: {  	[sflag:s16] =	ssyncset.done $0x0;
	(pc) =	sbr.rel @p0 .LBB2_1-.Ltmp1, $4  }
0x43: {  	[sflag:s16] =	ssyncadd.s32 $0xFFFFC000  }
0x44: {  	_ =	swait.ge [sflag:s17], $0x4000  }
0x45: {  	[sflag:s17] =	ssyncset.done $0x0  }
0x46: {  	[sflag:s17] =	ssyncadd.s32 $0xFFFFC000  }
0x47: {  	_ =	sfence.sel $0x180000  }
0x48: {  	[bflag:$0x0] =	sbarrier.arrive $0xFFFF  }
0x49: {  	p0 =	sne.s32 s0, $0x0;
	_ =	strace $0x90000047  }
0x4a: {  	s0 =	sadd.s32 @!p0 $0x100000, s2;
	[bflag:$0x2] =	sbarrier.arrive $0xFFFF  }
0x4b: {  	[sflag:s0] =	ssyncadd.tile.s32 @!p0 $0x1;
	_ =	shalt  }
.Lfunc_end2:
_tile_overlayer_lowered:
.L_overlay_start_2:
0x4c: {  	(tag) =	ssettag $0x2  }
0x4d: {  	s0 =	rddreg [dreg:$0x0];
	s2 =	stileid.u32  }
0x4e: {  	s1 =	rddreg [dreg:$0x1];
	p0 =	sne.s32 s2, $0x0  }
0x4f: {  	s3 =	rddreg [dreg:$0x2];
	[bflag:$0x3] =	sbarrier.arrive $0xFFFF;
	s2 =	simm.s32 @!p0 $0x1C05  }
0x50: {  	[timem:s3], [sflag:s2] =	dma.local @!p0 [hbm:s0], s1  }
0x51: {  	s0 =	simm.s32 @!p0 $0x5  }
0x52: {  	_ =	swait.ge @!p0 [sflag:s0], s1  }
0x53: {  	s1 =	ssub.s32 @!p0 $0x0, s1;
	[sflag:s0] =	ssyncset.done @!p0 $0x0  }
0x54: {  	[sflag:s0] =	ssyncadd.s32 @!p0 s1  }
0x55: {  	[bflag:$0x3] =	sbarrier.arrive $0xFFFF  }
0x56: {  	_ =	shalt  }

// kernel: scatter_offload_async_start
scs
__scs_entry_jumppad:
0x0: {  	(pc) =	sbr.rel $0x88, $3  }
0x1: {  	(tag) =	ssettag $0x0;
	lr =	simm.s32 $0x1  }
0x2: {  	[smem:$0x3F92] =	sst lr;
	_ =	strace $0xD0000000  }
0x3: {  	_ = 	snop  }
0x4: {  	_ = 	snop  }
0x5: {  	_ = 	snop  }
0x6: {  	_ = 	snop  }
0x7: {  	_ = 	snop  }
__scs_overlays_trampoline_lowered:
0x8: {  	[smem:$0x3FA1] =	sst s0  }
0x9: {  	[smem:$0x3FA2] =	sst s1  }
0xa: {  	[smem:$0x3FA3] =	sst s2  }
0xb: {  	[smem:$0x3FA4] =	sst s3  }
0xc: {  	[smem:$0x3FA5] =	sst s4  }
0xd: {  	[smem:$0x3FA6] =	sst s5  }
0xe: {  	[smem:$0x3FA7] =	sst s6  }
0xf: {  	[smem:$0x3FA8] =	sst s7  }
0x10: {  	[smem:$0x3FA9] =	sst s8  }
0x11: {  	[smem:$0x3FAA] =	sst s9;
	s0 =	simm.s32 @!p0 $0x0  }
0x12: {  	s1 =	sld [smem:$0x3F90];
	s0 =	simm.s32 @p0 $0x1  }
0x13: {  	[smem:$0x3FAB] =	sst s0;
	s0 =	simm.s32 @!p1 $0x0  }
0x14: {  	s2 =	sld [smem:$0x3F8F];
	s0 =	simm.s32 @p1 $0x1  }
0x15: {  	[smem:$0x3FAC] =	sst s0;
	s0 =	simm.s32 @!p2 $0x0  }
0x16: {  	s3 =	sld [smem:$0x3FDB];
	s0 =	simm.s32 @p2 $0x1  }
0x17: {  	s4 =	simm.s32 $0x1BF5;
	[smem:$0x3FAE] =	sst s0  }
0x18: {  	s0 =	sld [smem:$0x3F91];
	_ =	swait.ge [sflag:s4], $0x0  }
0x19: {  	s7 =	sld [smem:$0x3F92]  }
0x1a: {  	s8 =	sadd.s32 $0xFFFFE003, lr  }
0x1b: {  	s9 =	sadd.s32 $0xFFFFFEF7, lr;
	s5 =	simm.s32 $0xFFFFFFFF;
	p2 =	slt.u32 s8, $0xFFFFF086  }
0x1c: {  	p1 =	slt.u32 s9, $0xF7A;
	s5 =	simm.s32 @!p2 $0x0  }
0x1d: {  	s5 =	simm.s32 @p1 $0x1;
	p0 =	seq.s32 s7, s2  }
0x1e: {  	s7 =	smul.u32 @!p0 $0xF7A, s2;
	p2 =	seq.s32 @!p0 s5, $0x0  }
0x1f: {  	s9 =	smul.u32 $0xF7A, s1;
	s8 =	simm.s32 @!p0 $0x1BF5;
	p2 =	por !p2, p0  }
0x20: {  	[sflag:s8] =	ssyncset.s32 @!p0 $0xFFFFF086;
	s6 =	sadd.s32 @!p0 s3, s7;
	s7 =	simm.s32 @!p0 $0x108  }
0x21: {  	s3 =	sadd.s32 s3, s9;
	s6 =	sadd.s32 @!p0 $0x88, s6;
	s7 =	simm.s32 @p2 $0x1082  }
0x22: {  	[simem:s7], [sflag:s8] =	dma.local @!p0 [hbm:s6], $0xF7A  }
0x23: {  	s9 =	sor.u32 $0xD0000000, s2;
	s6 =	simm.s32 $0x108;
	_ =	swait.ge @!p0 [sflag:s8], $0x0  }
0x24: {  	s3 =	sadd.s32 $0x88, s3;
	s6 =	simm.s32 @!p1 $0x1082;
	[sflag:s4] =	ssyncset.s32 $0xFFFFF086  }
0x25: {  	[simem:s6], [sflag:s4] =	dma.local [hbm:s3], $0xF7A  }
0x26: {  	[smem:$0x3F92] =	sst s1;
	(tag) =	ssettag s2;
	_ =	strace s9  }
0x27: {  	s1 =	sld [smem:$0x3FA2]  }
0x28: {  	s2 =	sld [smem:$0x3FA3]  }
0x29: {  	s4 =	sld [smem:$0x3FA5]  }
0x2a: {  	p0 =	seq.s32 s5, $0x0;
	s5 =	sld [smem:$0x3FA6]  }
0x2b: {  	s6 =	sld [smem:$0x3FA7]  }
0x2c: {  	s7 =	sld [smem:$0x3FA8]  }
0x2d: {  	s3 =	simm.s32 $0x108;
	s8 =	sld [smem:$0x3FA9]  }
0x2e: {  	s3 =	simm.s32 @!p0 $0x1082;
	s9 =	sld [smem:$0x3FAA]  }
0x2f: {  	lr =	sadd.s32 s0, s3;
	s0 =	sld [smem:$0x3FA1]  }
0x30: {  	s3 =	sld [smem:$0x3FA4]  }
0x31: {  	[smem:$0x3FAD] =	sst s10  }
0x32: {  	s10 =	sld [smem:$0x3FAB];
	_ =	sdelay $0x3  }
0x33: {  	p0 =	seq.s32 s10, $0x1;
	s10 =	sld [smem:$0x3FAD];
	_ =	sdelay $0x3  }
0x34: {  	[smem:$0x3FAD] =	sst s10  }
0x35: {  	s10 =	sld [smem:$0x3FAC];
	_ =	sdelay $0x3  }
0x36: {  	p1 =	seq.s32 s10, $0x1;
	s10 =	sld [smem:$0x3FAD];
	_ =	sdelay $0x3  }
0x37: {  	[smem:$0x3FAD] =	sst s10  }
0x38: {  	s10 =	sld [smem:$0x3FAE]  }
0x39: {  	_ = 	snop;
	(pc) =	sbr.ind lr, $3  }
0x3a: {  	_ = 	snop  }
0x3b: {  	_ = 	snop  }
0x3c: {  	p2 =	seq.s32 s10, $0x1;
	s10 =	sld [smem:$0x3FAD]  }
0x3d: {  	_ =	shalt  }
0x3e: {  	_ =	shalt  }
0x3f: {  	_ =	shalt  }
0x40: {  	_ =	shalt  }
0x41: {  	_ =	shalt  }
0x42: {  	_ =	shalt  }
0x43: {  	_ =	shalt  }
0x44: {  	_ =	shalt  }
0x45: {  	_ =	shalt  }
0x46: {  	_ =	shalt  }
0x47: {  	_ =	shalt  }
0x48: {  	_ =	shalt  }
0x49: {  	_ =	shalt  }
0x4a: {  	_ =	shalt  }
0x4b: {  	_ =	shalt  }
0x4c: {  	_ =	shalt  }
0x4d: {  	_ =	shalt  }
0x4e: {  	_ =	shalt  }
0x4f: {  	_ =	shalt  }
0x50: {  	_ =	shalt  }
0x51: {  	_ =	shalt  }
0x52: {  	_ =	shalt  }
0x53: {  	_ =	shalt  }
0x54: {  	_ =	shalt  }
0x55: {  	_ =	shalt  }
0x56: {  	_ =	shalt  }
0x57: {  	_ =	shalt  }
0x58: {  	_ =	shalt  }
0x59: {  	_ =	shalt  }
0x5a: {  	_ =	shalt  }
0x5b: {  	_ =	shalt  }
0x5c: {  	_ =	shalt  }
0x5d: {  	_ =	shalt  }
0x5e: {  	_ =	shalt  }
0x5f: {  	_ =	shalt  }
0x60: {  	_ =	shalt  }
0x61: {  	_ =	shalt  }
0x62: {  	_ =	shalt  }
0x63: {  	_ =	shalt  }
0x64: {  	_ =	shalt  }
0x65: {  	_ =	shalt  }
0x66: {  	_ =	shalt  }
0x67: {  	_ =	shalt  }
0x68: {  	_ =	shalt  }
0x69: {  	_ =	shalt  }
0x6a: {  	_ =	shalt  }
0x6b: {  	_ =	shalt  }
0x6c: {  	_ =	shalt  }
0x6d: {  	_ =	shalt  }
0x6e: {  	_ =	shalt  }
0x6f: {  	_ =	shalt  }
0x70: {  	_ =	shalt  }
0x71: {  	_ =	shalt  }
0x72: {  	_ =	shalt  }
0x73: {  	_ =	shalt  }
0x74: {  	_ =	shalt  }
0x75: {  	_ =	shalt  }
0x76: {  	_ =	shalt  }
0x77: {  	_ =	shalt  }
0x78: {  	_ =	shalt  }
0x79: {  	_ =	shalt  }
0x7a: {  	_ =	shalt  }
0x7b: {  	_ =	shalt  }
0x7c: {  	_ =	shalt  }
0x7d: {  	_ =	shalt  }
0x7e: {  	_ =	shalt  }
0x7f: {  	_ =	shalt  }
0x80: {  	_ =	shalt  }
0x81: {  	_ =	shalt  }
0x82: {  	_ =	shalt  }
0x83: {  	_ =	shalt  }
0x84: {  	_ =	shalt  }
0x85: {  	_ =	shalt  }
0x86: {  	_ =	shalt  }
0x87: {  	_ =	shalt  }
.Lfunc_end0:
.L_simem_size_0:
called_computation_lowered:
.L_overlay_start_0:
0x88: {  	s0 =	sld [smem:$0x3FD9]  }
0x89: {  	s1 =	sld [smem:$0x3FFE];
	_ =	sdelay $0x3  }
0x8a: {  	s0 =	sadd.s32 s1, s0  }
0x8b: {  	[smem:$0x3FB9] =	sst s0  }
0x8c: {  	_ = 	snop  }
0x8d: {  	(tm) =	ssettm $0x1  }
0x8e: {  	s15 =	sld [smem:$0x3FFB];
	_ =	sdelay $0x3  }
0x8f: {  	_ =	strace s15  }
0x90: {  	s0 =	sld [smem:$0x3FFC];
	_ =	sdelay $0x3  }
0x91: {  	_ =	strace s0  }
0x92: {  	s0 =	sld [smem:$0x3FFD];
	_ =	sdelay $0x3  }
0x93: {  	_ =	strace s0  }
0x94: {  	_ =	strace $0x8FFFFFFF  }
0x95: {  	s16 =	sld [smem:$0x3FDB];
	_ =	sdelay $0x1  }
0x96: {  	s17 =	simm.s32 $_scs_section_size  }
0x97: {  	s2 =	simm.s32 $_size__tile_overlayer_lowered;
	s3 =	simm.s32 $_tile_overlayer_lowered  }
0x98: {  	s20 =	simm.s32 $0x1BFF;
	s19 =	sshll.u32 s3, $0x1;
	s0 =	sadd.s32 s17, s16  }
0x99: {  	s4 =	simm.s32 $0x0;
	s18 =	sshll.u32 s2, $0x1;
	s2 =	sadd.s32 s19, s0  }
0x9a: {  	[timem:s4], [sflag:s20] =	dma.local [hbm:s2], s18  }
0x9b: {  	_ =	swait.ge [sflag:s20], s18  }
0x9c: {  	s1 =	ssub.s32 $0x0, s18;
	[sflag:s20] =	ssyncset.done $0x0  }
0x9d: {  	[sflag:s20] =	ssyncadd.s32 s1;
	_ =	sdelay $0x1  }
0x9e: {  	s21 =	simm.s32 $0x1B8B  }
0x9f: {  	_ =	swait.ge [sflag:s21], $0x1  }
0xa0: {  	[sflag:s21] =	ssyncset.done $0x0  }
0xa1: {  	s23 =	simm.s32 $0x1B8E;
	s22 =	sld [smem:$0x3FFE];
	[sflag:s21] =	ssyncadd.s32 $0xFFFFFFFF  }
0xa2: {  	s24 =	simm.s32 $execute0_lowered;
	[smem:$0x3FD2] =	sst s23  }
0xa3: {  	s2 =	sshll.u32 s24, $0x1;
	_ =	strace $0x80000049;
	[dreg:$0x1] =	wrdreg $0xFFFFFFFF  }
0xa4: {  	s25 =	simm.s32 $_size_execute0_lowered;
	s0 =	sadd.s32 s0, s2;
	[dreg:$0x0] =	wrdreg $0x0  }
0xa5: {  	s2 =	sshll.u32 s25, $0x1;
	[dreg:$0x2] =	wrdreg s0  }
0xa6: {  	[dreg:$0x3] =	wrdreg s2  }
0xa7: {  	[dreg:$0x4] =	wrdreg $0xC0  }
0xa8: {  	_ =	task [dreg:s4], $0x5FFFF  }
0xa9: {  	[dreg:$0x1] =	wrdreg $0xFFFFFFFF  }
0xaa: {  	[dreg:$0x0] =	wrdreg $0x60  }
0xab: {  	[dreg:$0x2] =	wrdreg s22  }
0xac: {  	[dreg:$0x3] =	wrdreg $0x9  }
0xad: {  	_ =	task.clear_ibuf [dreg:s4], $0x4FFFF;
	_ =	strace $0x90000049  }
0xae: {  	s26 =	simm.s32 $0x9;
	_ =	strace $0x8000004B  }
0xaf: {  	_ =	swait.ge [sflag:s26], $0x1  }
0xb0: {  	[sflag:s26] =	ssyncadd.s32 $0xFFFFFFFF  }
0xb1: {  	_ =	strace $0x9000004B  }
0xb2: {  	_ =	sfence  }
0xb3: {  	s28 =	sld [smem:$0x0];
	_ =	sdelay $0x1  }
0xb4: {  	s29 =	srdreg.scid  }
0xb5: {  	s30 =	sshll.u32 s29, $0xD;
	s31 =	sshrl.u32 s29, $0x2  }
0xb6: {  	s1 =	sand.u32 $0x1, s29;
	s2 =	sand.u32 $0x4000, s30;
	s0 =	sadd.s32 s31, s28  }
0xb7: {  	s1 =	sor.u32 s2, s1;
	s0 =	sshll.u32 s0, $0x11  }
0xb8: {  	s0 =	sor.u32 s0, s1  }
0xb9: {  	s0 =	sadd.s32 $0x8F2B, s0  }
0xba: {  	[sflag:s0] =	ssyncadd.remote.s32 $0x1  }
0xbb: {  	_ =	sfence.sel $0xFFFF  }
0xbc: {  	[dreg:$0x0] =	wrdreg $0xFFFFFFFF;
	(pc) =	sbr.abs _section_cstart, $3  }
0xbd: {  	[dreg:$0x1] =	wrdreg $0xFFFFFFFF  }
0xbe: {  	_ =	task.clear_ibuf [dreg:s4], $0x2FFFF;
	_ =	strace $0x9FFFFFFF  }
0xbf: {  	(tm) =	ssettm $0x7FFFFFFF  }
tec
execute0_lowered:
.L_overlay_start_1:
0x0: {  	(tag) =	ssettag $0x1  }
0x1: {  	s0 =	rddreg [dreg:$0x0];
	_ =	strace $0x8000004A;
	s15 =	stileid.u32  }
0x2: {  	s2 =	simm.s32 $0x1;
	s1 =	smin.u32 s15, $0x8;
	s3 =	sshll.u32 s15, $0x1  }
0x3: {  	v1 =	vimm.s32 $0xFFFFFFFF;
	[sflag:s2] =	ssyncpa.u1 $0x0;
	s1 =	sadd.s32 s1, s3  }
0x4: {  	p0 =	slt.u32 s15, $0x8;
	[tilespmem:$0x10] =	vst v1;
	s4 =	smul.u32 $0x1F40, s1;
	s1 =	simm.s32 $0x5DC0  }
0x5: {  	v0 =	vimm.f32 $0.0e+00;
	[tilespmem:$0x20] =	vst v1;
	s1 =	simm.s32 @!p0 $0x3E80  }
0x6: {  	[tilespmem:$0x30] =	vst v0;
	s1 =	sadd.s32 s1, s4  }
0x7: {  	[tilespmem:$0x40] =	vst v0;
	s5 =	smin.u32 s1, $0x4E200  }
0x8: {  	s7 =	simm.s32 $0x2;
	s8 =	simm.s32 $0x8;
	[tilespmem:$0x50] =	vst v0;
	s9 =	ssub.s32 s5, s4  }
0x9: {  	s31 =	simm.s32 $0x9;
	s16 =	simm.s32 $0x0;
	[tilespmem:$0x60] =	vst v1;
	p0 =	sgt.s32 s9, $0x0  }
0xa: {  	s17 =	simm.s32 $0xF0;
	s18 =	simm.s32 $0xFFFFFFFF;
	[tilespmem:$0x70] =	vst v1;
	s9 =	simm.s32 @!p0 $0x0  }
0xb: {  	s19 =	simm.s32 $0xFFFFC280;
	s20 =	simm.s32 $0xFFFFFFFE;
	[tilespmem:$0x80] =	vst v1;
	s30 =	smulhi.u32 $0x10624DD3, s9  }
0xc: {  	s21 =	simm.s32 $0xF;
	s25 =	simm.s32 $0x0;
	s24 =	simm.s32 $0x0;
	v1 =	vimm.s32 $0x0;
	[tilespmem:$0xB0] =	vst v0  }
0xd: {  	s6 =	sadd.s32 $0x1800, s0;
	s15 =	sshllo.u32 s15, $0x1;
	[tilespmem:$0x90] =	vst v1;
	s10 =	sshrl.u32 s30, $0x9  }
0xe: {  	[tilespmem:$0xA0] =	vst v1;
	[sflag:s7] =	ssyncpa.u1 $0x0;
	s7 =	simm.s32 $0x7;
	s11 =	smul.u32 $0x1F40, s10  }
.Ltmp0:
0xf: {  	s13 =	sor.u32 $0x80, s3;
	[sflag:s7] =	ssyncpa.u1 $0x0;
	(pc) =	sbr.rel .LBB2_1-.Ltmp0, $4  }
0x10: {  	s14 =	sor.u32 $0x81, s3;
	[sflag:s8] =	ssyncpa.u1 $0x0;
	p0 =	sne.s32 s9, s11  }
0x11: {  	s23 =	smov.u32 s4;
	s1 =	sadd.s32 $0x15400, s0;
	s2 =	simm.s32 @!p0 $0x0  }
0x12: {  	vm0 =	vmmov $0xffff;
	v2 =	vlaneseq.u32;
	[sflag:s31] =	ssyncpa.u1 $0x0;
	s9 =	sadd.s32 $0xB600, s0;
	s10 =	sadd.s32 s2, s10  }
0x13: {  	vm1 =	vmxor vm1, vm1;
	vm2 =	vmmov $0x1;
	vm3 =	vcmask $0x3F3C;
	p0 =	por $0x0, $0x0;
	s11 =	sadd.s32 $0x1, s10;
	s12 =	sadd.s32 $0x2, s10  }
.LBB2_9:
0x14: {  	p1 =	slt.u32 s24, $0x3  }
0x15: {  	s0 =	simm.s32 @!p1 $0x2  }
0x16: {  	_ =	swait.ge @!p1 [sflag:s0], $0x1F40  }
0x17: {  	[sflag:s0] =	ssyncset.done @!p1 $0x0  }
0x18: {  	[sflag:s0] =	ssyncadd.s32 @!p1 $0xFFFFE0C0;
	s0 =	simm.s32 @!p1 $0x9  }
0x19: {  	_ =	swait.ge @!p1 [sflag:s0], $0x10  }
0x1a: {  	[sflag:s0] =	ssyncset.done @!p1 $0x0  }
0x1b: {  	[sflag:s0] =	ssyncadd.s32 @!p1 $0xFFFFFFF0;
	p1 =	sne.s32 s24, s12  }
.Ltmp1:
0x1c: {  	s2 =	sadd.s32 $0x1F40, s23;
	(pc) =	sbr.rel @!p1 .LBB2_10-.Ltmp1, $4  }
0x1d: {  	s22 =	smov.u32 s4;
	s31 =	sadd.s32 $0x1, s24;
	s17 =	sadd.s32 $0x1F40, s17  }
0x1e: {  	s18 =	sadd.s32 $0x1, s18;
	s25 =	smov.u32 s23;
	p2 =	slt.s32 s2, s5  }
0x1f: {  	p0 =	por !p0, !p0;
	s19 =	sadd.s32 $0x1F40, s19;
	s22 =	smov.u32 @p2 s2  }
0x20: {  	s20 =	sadd.s32 $0x1, s20;
	s23 =	smov.u32 s22;
	s24 =	smov.u32 s31  }
.LBB2_1:
0x21: {  	p1 =	sge.u32 s24, s10  }
0x22: {  	s0 =	smulhi.u32 @!p1 $0xAAAAAAAB, s24;
	_ =	sdelay $0x1  }
0x23: {  	s0 =	sshrl.u32 @!p1 s0, $0x1  }
0x24: {  	s0 =	smul.u32 @!p1 $0x3, s0;
	_ =	sdelay $0x1  }
0x25: {  	s0 =	ssub.s32 @!p1 s24, s0  }
0x26: {  	s0 =	smul.u32 @!p1 $0x7D00, s0;
	_ =	sdelay $0x1  }
0x27: {  	s2 =	sshrl.u32 @!p1 s23, $0x3;
	s0 =	sshrl.u32 @!p1 s0, $0x2  }
0x28: {  	s22 =	sand.u32 @!p1 $0x7, s23;
	s2 =	sadd.s32 @!p1 s6, s2;
	s0 =	sadd.s32 @!p1 $0x100, s0  }
0x29: {  	[tilespmem:s0], [sflag:$0x7] =	stream.linear.gather @!p1 [hbm4b:s2+s22], $0x1F40, $0x38;
	[tilespmem:$0x11A60] =	vst v63  }
0x2a: {  	s0 =	sadd.s32 $0xFFFFFFFF, s24  }
0x2b: {  	p1 =	sge.u32 s0, s10  }
.Ltmp2:
0x2c: {  	_ = 	snop;
	(pc) =	sbr.rel @p1 .LBB2_5-.Ltmp2, $1  }
0x2d: {  	_ =	sdelay $0x3  }
0x2e: {  	s2 =	smulhi.u32 $0xAAAAAAAB, s0;
	_ =	sdelay $0x1  }
0x2f: {  	s2 =	sshrl.u32 s2, $0x1  }
0x30: {  	s2 =	smul.u32 $0x3, s2;
	_ =	sdelay $0x1  }
0x31: {  	s2 =	ssub.s32 s0, s2  }
0x32: {  	s2 =	smul.u32 $0x7D00, s2  }
0x33: {  	_ =	swait.ge [sflag:s7], $0x1F40  }
0x34: {  	[sflag:s7] =	ssyncset.done $0x0;
	s2 =	sshrl.u32 s2, $0x2  }
0x35: {  	[sflag:s7] =	ssyncadd.s32 $0xFFFFE0C0;
	(ifvalue) =	ssetifvalue $0xFFFFFFFF;
	v3 =	vld.msk [tilespmem:s2+$0x100 ss:$0x1], $0xffff;
	_ =	sdelay $0x2  }
0x36: {  	s30 =	smulhi.u32 $0xAAAAAAAB, s18;
	p1 =	sne.s32 s24, $0x1  }
0x37: {  	v4 =	vimm.s32 @!p1 $0x0  }
0x38: {  	s2 =	sshrl.u32 s30, $0x1;
	v4 =	vperm.xlane @!p1 v3, v4  }
0x39: {  	s22 =	sshll.u32 s24, $0x4;
	s2 =	smul.u32 $0xFFFE8900, s2;
	vm4 =	vlt.u32 v3, $0x2800  }
0x3a: {  	s22 =	sand.u32 $0x10, s22;
	v3 =	vnsel vm4, $0xFFFFFFFE, v3;
	vm4 =	vlt.u32 @!p1 v4, $0x2800  }
0x3b: {  	s2 =	sshra.s32 s2, $0x2;
	[tilespmem:s22+$0x60] =	vst v3;
	v3 =	vnsel @!p1 vm4, $0xFFFFFFFE, v4  }
0x3c: {  	s28 =	sadd.s32 s2, s17;
	[tilespmem:$0x80] =	vst @!p1 v3  }
0x3d: {  	v3 =	vld.msk [tilespmem:s28+$0x0 ss:$0x1], $0xffff;
	_ =	sdelay $0x4  }
0x3e: {  	(xrf1) =	vunique.msk.u32 $0xffff, v3;
	_ =	sdelay $0xd  }
0x3f: {  	v4 =	vimm.s32 $0xFFFFFFFF;
	v5, _, _ =	vpop (xrf1)  }
0x40: {  	vm5 =	vne.s32 v3, v4;
	vm4 =	veq.s32 v5, v2  }
0x41: {  	vm6 =	vlt.u32 v3, $0x2800;
	vm4 =	vmand vm5, vm4  }
0x42: {  	vm4 =	vmand vm6, vm4  }
0x43: {  	v4 =	vnsel vm4, $0xFFFFFFFF, v3  }
0x44: {  	s31 =	sand.u32 $0x1, s0  }
0x45: {  	s0 =	simm.s32 $0x1F40;
	p1 =	seq.s32 s31, $0x1  }
0x46: {  	s0 =	simm.s32 @!p1 $0x0  }
0x47: {  	s26 =	sadd.s32 $0x7DF0, s0;
	(ifvalue) =	ssetifvalue $0xFFFFFFFF  }
0x48: {  	v3 =	vperm.xlane v3, v1;
	[tilespmem:s26], [sflag:$0x8] =	stream.indirect_vreg.gather [hbm4b:s1+s16], $0x1, v4, vm0, $0x4038;
	v4 =	vnsel vm6, $0xFFFFFFFE, v4;
	[tilespmem:$0x11A60] =	vst v63  }
0x49: {  	s2 =	simm.s32 $0x0;
	s22 =	sadd.s32 $0xFFFFFFF0, s28;
	[tilespmem:s28+$0x0] =	vst v4  }
.LBB2_3:
0x4a: {  	v4 =	vld.msk [tilespmem:s22+$0x0 ss:$0x1], $0xffff;
	s2 =	sadd.s32 $0x10, s2;
	v5 =	vmov v3;
	s28 =	smov.u32 s22  }
0x4b: {  	p1 =	slt.u32 s2, $0x1F30;
	_ =	sdelay $0x4  }
0x4c: {  	v3 =	vperm.xlane v4, v1;
	(xrf1) =	vunique.msk.u32 $0xffff, v4;
	_ =	sdelay $0xd  }
0x4d: {  	v6, _, _ =	vpop (xrf1)  }
0x4e: {  	vm5 =	vne.s32 v4, v5;
	vm4 =	veq.s32 v6, v2  }
0x4f: {  	vm6 =	vlt.u32 v4, $0x2800;
	vm4 =	vmand vm5, vm4  }
0x50: {  	vm4 =	vmand vm6, vm4  }
0x51: {  	v4 =	vnsel vm4, $0xFFFFFFFF, v4  }
.Ltmp3:
0x52: {  	v5 =	vnsel vm6, $0xFFFFFFFE, v4;
	(pc) =	sbr.rel @p1 .LBB2_3-.Ltmp3, $3  }
0x53: {  	_ =	sdelay $0x1  }
0x54: {  	s22 =	sadd.s32 $0xFFFFFFF0, s22;
	s26 =	sadd.s32 $0xFFFFFFF0, s26;
	(ifvalue) =	ssetifvalue $0xFFFFFFFF  }
0x55: {  	[tilespmem:s26], [sflag:$0x8] =	stream.indirect_vreg.gather [hbm4b:s1+s16], $0x1, v4, vm0, $0x4038;
	[tilespmem:s28+$0x0] =	vst v5  }
0x56: {  	s2 =	sshrl.u32 s25, $0x3  }
0x57: {  	s0 =	sadd.s32 $0x9D40, s0;
	s2 =	sadd.s32 s9, s2  }
0x58: {  	[tilespmem:s0], [sflag:$0x8] =	stream.linear.gather [hbm:s2], $0x1F40, $0x38;
	[tilespmem:$0x11A60] =	vst v63  }
.LBB2_5:
0x59: {  	p1 =	slt.u32 s24, $0x2  }
0x5a: {  	p2 =	sge.u32 @!p1 s24, s12  }
0x5b: {  	p1 =	por p1, p2  }
.Ltmp4:
0x5c: {  	_ = 	snop;
	(pc) =	sbr.rel @p1 .LBB2_9-.Ltmp4, $1  }
0x5d: {  	_ =	sdelay $0x3  }
0x5e: {  	s0 =	sadd.s32 $0xFFFFFFFE, s24  }
0x5f: {  	s2 =	smulhi.u32 $0xAAAAAAAB, s0;
	_ =	sdelay $0x1  }
0x60: {  	s2 =	sshrl.u32 s2, $0x1  }
0x61: {  	s2 =	smul.u32 $0x3, s2;
	_ =	sdelay $0x1  }
0x62: {  	s0 =	ssub.s32 s0, s2  }
0x63: {  	_ =	swait.ge [sflag:s8], $0x3E80;
	s0 =	smul.u32 $0x1F40, s0  }
0x64: {  	p1 =	sne.s32 s24, s11;
	[sflag:s8] =	ssyncset.done $0x0  }
0x65: {  	[sflag:s8] =	ssyncadd.s32 $0xFFFFC180;
	s2 =	sadd.s32 @!p1 $0x203F, s0  }
0x66: {  	[spmem:s14] =	stream.linear.scatter @!p1 [tilespmem:s2], [sflag:$0x1], $0x1, $0x38;
	[tilespmem:$0x11A60] =	vst v63  }
0x67: {  	s2 =	simm.s32 @!p1 $0x1  }
0x68: {  	_ =	swait.ge @!p1 [sflag:s2], $0x1  }
0x69: {  	s22 =	sshll.u32 s24, $0x4;
	[sflag:s2] =	ssyncset.done @!p1 $0x0  }
0x6a: {  	s25 =	sand.u32 $0x10, s22;
	[sflag:s2] =	ssyncadd.s32 @!p1 $0xFFFFFFFF  }
0x6b: {  	s2 =	sxor.u32 $0x10, s25;
	v4 =	vld [tilespmem:s25+$0x10]  }
0x6c: {  	v5 =	vld [tilespmem:s2+$0x60]  }
0x6d: {  	v3 =	vld [tilespmem:$0x80];
	_ =	sdelay $0x2  }
0x6e: {  	(v2sf) =	vpush v4, $0x0  }
0x6f: {  	(v2sf) =	vpush v5, $0x0  }
0x70: {  	(v2sf) =	vpush v3, $0x0;
	_ =	sdelay $0xc  }
0x71: {  	s22 =	spop (v2sf)  }
0x72: {  	s26 =	spop (v2sf)  }
0x73: {  	s28 =	spop (v2sf)  }
0x74: {  	p2 =	seq.s32 s22, s26;
	p3 =	seq.s32 s28, s22  }
0x75: {  	p3 =	por p2, p3  }
0x76: {  	s26 =	sand.u32 $0x1, s24;
	v4 =	vpsel p3, $0xFFFFFFFF, v4  }
0x77: {  	s29 =	smul.u32 $0x1F40, s26;
	[tilespmem:s25+$0x10] =	vst.msk $0x1, v4  }
0x78: {  	v4 =	vld [tilespmem:$0x30]  }
0x79: {  	v5 =	vld [tilespmem:s29+$0x9D40]  }
0x7a: {  	v6 =	vld [tilespmem:s25+$0x40];
	_ =	sdelay $0x3  }
0x7b: {  	vm4 =	vmmov vm1;
	v5 =	vadd.f32 v5, v4  }
0x7c: {  	vm5 =	vmmov vm2;
	vm4 =	vmmov @p2 vm2;
	s22 =	sshll.u32 s26, $0x4;
	v4 =	vadd.f32 v6, v4  }
0x7d: {  	s26 =	sor.u32 $0x11A40, s22;
	vm5 =	vmmov @p3 vm1;
	[tilespmem:s29+$0x9D40] =	vst.msk vm4, v5  }
0x7e: {  	[tilespmem:s26+$0x0] =	vst.msk vm5, v4  }
0x7f: {  	v4 =	vld [tilespmem:s29+$0x7DF0];
	_ =	sdelay $0x3  }
0x80: {  	v5 =	vimm.f32 $0.0e+00  }
0x81: {  	v4 =	vshift.insert v4, v5, s21  }
0x82: {  	s22 =	sor.u32 $0x40, s2  }
0x83: {  	[tilespmem:s22+$0x0] =	vst.msk $0x1, v4  }
0x84: {  	[tilespmem:s29+$0x7DFF] =	vst.msk $0x1, v5  }
0x85: {  	v4 =	vld [tilespmem:s0+$0x2030];
	_ =	sdelay $0x1  }
0x86: {  	s22 =	smulhi.u32 $0xAAAAAAAB, s20;
	s0 =	simm.s32 $0x1  }
0x87: {  	s0 =	simm.s32 @!p0 $0x0  }
0x88: {  	s22 =	sshrl.u32 s22, $0x1;
	s0 =	smul.u32 $0x7D00, s0  }
0x89: {  	s22 =	smul.u32 $0xFFFE8900, s22;
	v4 =	vshift.insert v4, v1, s21  }
0x8a: {  	s0 =	sshrl.u32 s0, $0x2  }
0x8b: {  	s22 =	sshra.s32 s22, $0x2;
	s30 =	sadd.s32 $0x9D40, s0;
	[tilespmem:s2+$0x10] =	vst.msk $0x1, v4  }
0x8c: {  	s22 =	sadd.s32 s22, s19;
	v6 =	vld [tilespmem:s30+$0x0]  }
0x8d: {  	v7 =	vld [tilespmem:s22+$0x0];
	_ =	sdelay $0x3  }
0x8e: {  	v5 =	vadd.f32 v6, v5  }
0x8f: {  	vm4 =	vne.s32 v7, $0xFFFFFFFF  }
0x90: {  	(xrf2) =	vadd.seg.scan.f32 vm4, v5;
	_ =	sdelay $0x3  }
0x91: {  	s31 =	sadd.s32 $0x5EC0, s0;
	v5 =	vperm.xlane v4, v1  }
0x92: {  	v6 =	vld [tilespmem:s31+$0x0]  }
0x93: {  	vm5 =	veq.s32 v7, v3;
	vm6 =	veq.s32 v7, v5  }
0x94: {  	vm7 =	vgt.u32 v7, $0xFFFFFFFD;
	vm6 =	vmor vm6, vm5  }
0x95: {  	vm6 =	vmor vm6, vm7  }
0x96: {  	v9 =	vld [tilespmem:$0xA0];
	v7 =	vsel vm6, $0xFFFFFFFF, v7  }
0x97: {  	v10 =	vld [tilespmem:$0x90];
	v6 =	vsel vm5, $0x0, v6;
	v8, _, _ =	vpop (xrf2)  }
0x98: {  	v6 =	vadd.f32 v8, v6  }
0x99: {  	s0 =	sadd.s32 $0xDBC0, s0  }
0x9a: {  	vm4 =	vmand vm4, vm3;
	[tilespmem:s0+$0x0] =	vst v6;
	(ifvalue) =	ssetifvalue $0xFFFFFFFF  }
0x9b: {  	vm6 =	veq.s32 v9, $0x1;
	[hbm4b:s1+s16] =	stream.indirect_vreg.scatter [tilespmem:s0], [sflag:$0x2], $0x1, v7, vm0, $0x4038;
	v7 =	vsel vm4, $0x0, v8;
	[tilespmem:$0x11A60] =	vst v63  }
0x9c: {  	s2 =	simm.s32 $0x0;
	s22 =	sadd.s32 $0x10, s22;
	vm4 =	vmor vm6, vm5;
	v6 =	vsel vm5, v8, v10;
	v7 =	vshift.insert v7, v0, s21  }
.LBB2_7:
0x9d: {  	v8 =	vld [tilespmem:s22+$0x0];
	s30 =	sadd.s32 $0x10, s30  }
0x9e: {  	s31 =	sadd.s32 $0x10, s31;
	v9 =	vld [tilespmem:s30+$0x0]  }
0x9f: {  	s2 =	sadd.s32 $0x10, s2;
	v10 =	vld [tilespmem:s31+$0x0]  }
0xa0: {  	p2 =	slt.u32 s2, $0x1F30;
	_ =	sdelay $0x2  }
0xa1: {  	v7 =	vadd.f32 v9, v7  }
0xa2: {  	vm5 =	vne.s32 v8, $0xFFFFFFFF  }
0xa3: {  	vm6 =	vmand vm5, vm3;
	(xrf2) =	vadd.seg.scan.f32 vm5, v7;
	_ =	sdelay $0x5  }
0xa4: {  	vm7 =	veq.s32 v8, v5;
	vm5 =	veq.s32 v8, v3  }
0xa5: {  	vm8 =	vgt.u32 v8, $0xFFFFFFFD;
	vm4 =	vmor vm4, vm5;
	vm7 =	vmor vm7, vm5  }
0xa6: {  	vm7 =	vmor vm7, vm8  }
0xa7: {  	v8 =	vsel vm7, $0xFFFFFFFF, v8  }
.Ltmp5:
0xa8: {  	v7 =	vsel vm5, $0x0, v10;
	v9, _, _ =	vpop (xrf2);
	(pc) =	sbr.rel @p2 .LBB2_7-.Ltmp5, $4  }
0xa9: {  	v6 =	vsel vm5, v9, v6;
	v10 =	vadd.f32 v9, v7;
	v7 =	vsel vm6, $0x0, v9  }
0xaa: {  	s0 =	sadd.s32 $0x10, s0;
	v7 =	vshift.insert v7, v0, s21  }
0xab: {  	s22 =	sadd.s32 $0x10, s22;
	[tilespmem:s0+$0x0] =	vst v10;
	(ifvalue) =	ssetifvalue $0xFFFFFFFF  }
0xac: {  	[hbm4b:s1+s16] =	stream.indirect_vreg.scatter [tilespmem:s0], [sflag:$0x2], $0x1, v8, vm0, $0x4038;
	[tilespmem:$0x11A60] =	vst v63  }
0xad: {  	v3 =	vld [tilespmem:s29+$0xFAF0];
	_ =	sdelay $0x4  }
0xae: {  	v3 =	vshift.insert v3, v0, s21  }
0xaf: {  	s0 =	simm.s32 $0x30  }
0xb0: {  	[tilespmem:s0+$0x0] =	vst.msk $0x1, v3  }
0xb1: {  	v3 =	vsel vm4, $0x1, v1;
	[tilespmem:$0x90] =	vst v6  }
0xb2: {  	s0 =	sadd.s32 @!p1 $0xFAFF, s29;
	[tilespmem:$0xA0] =	vst v3  }
0xb3: {  	[spmem:s15] =	stream.linear.scatter @!p1 [tilespmem:s0], [sflag:$0x1], $0x1, $0x38;
	[tilespmem:$0x11A60] =	vst v63  }
0xb4: {  	s0 =	simm.s32 @!p1 $0x1  }
0xb5: {  	v3 =	vmctz.xlane @!p1 vm4;
	_ =	swait.ge @!p1 [sflag:s0], $0x1  }
0xb6: {  	(v2sf) =	vpush @!p1 v4, $0x0  }
0xb7: {  	(v2sf) =	vpush @!p1 v3, $0x0;
	_ =	sdelay $0xd  }
0xb8: {  	s2 =	spop @!p1 (v2sf)  }
0xb9: {  	s22 =	spop @!p1 (v2sf)  }
0xba: {  	p2 =	sne.s32 @!p1 s28, s2;
	p3 =	slt.s32 @!p1 s22, $0xF  }
0xbb: {  	[sflag:s0] =	ssyncset.done @!p1 $0x0;
	p2 =	por p2, p1;
	p3 =	por !p3, p1  }
0xbc: {  	[sflag:s0] =	ssyncadd.s32 @!p1 $0xFFFFFFFF;
	v3 =	vimm.s32 @!p2 $0xFFFFFFFF;
	s22 =	simm.s32 @p3 $0xF  }
0xbd: {  	[tilespmem:$0x80] =	vst @!p2 v3;
	s2 =	sadd.s32 @!p1 $0x90, s22  }
0xbe: {  	[spmem:s3] =	stream.linear.scatter @!p1 [tilespmem:s2], [sflag:$0x1], $0x1, $0x38;
	[tilespmem:$0x11A60] =	vst v63  }
0xbf: {  	_ =	swait.ge @!p1 [sflag:s0], $0x1  }
0xc0: {  	[sflag:s0] =	ssyncset.done @!p1 $0x0  }
0xc1: {  	s2 =	simm.s32 @!p1 $0x80;
	[sflag:s0] =	ssyncadd.s32 @!p1 $0xFFFFFFFF  }
0xc2: {  	[spmem:s13] =	stream.linear.scatter @!p1 [tilespmem:s2], [sflag:$0x1], $0x1, $0x38;
	[tilespmem:$0x11A60] =	vst v63  }
0xc3: {  	_ =	swait.ge @!p1 [sflag:s0], $0x1  }
0xc4: {  	[sflag:s0] =	ssyncset.done @!p1 $0x0  }
0xc5: {  	[sflag:s0] =	ssyncadd.s32 @!p1 $0xFFFFFFFF;
	(ifvalue) =	ssetifvalue $0xFFFFFFFF;
	v3 =	vld [tilespmem:s25+$0x10];
	_ =	sdelay $0x3  }
.Ltmp6:
0xc6: {  	_ = 	snop;
	(pc) =	sbr.rel .LBB2_9-.Ltmp6, $3  }
0xc7: {  	_ =	sdelay $0x1  }
0xc8: {  	(ifvalue) =	ssetifvalue $0xFFFFFFFF  }
0xc9: {  	[hbm4b:s1+s16] =	stream.indirect_vreg.scatter [tilespmem:s26], [sflag:$0x9], $0x1, v3, vm0, $0x4038;
	[tilespmem:$0x11A60] =	vst v63  }
.LBB2_10:
0xca: {  	_ =	sfence.sel $0x180000  }
0xcb: {  	s0 =	simm.s32 $0x7;
	[bflag:$0x0] =	sbarrier.arrive $0xFFFF  }
0xcc: {  	s26 =	simm.s32 $0x8;
	[sflag:s0] =	ssyncpa.u1 $0x1  }
0xcd: {  	s28 =	simm.s32 $0x9;
	[sflag:s26] =	ssyncpa.u1 $0x1  }
0xce: {  	[sflag:s28] =	ssyncpa.u1 $0x1  }
0xcf: {  	_ =	sfence.stream.spmem  }
0xd0: {  	s29 =	simm.s32 $0x3;
	[bflag:$0x0] =	sbarrier.arrive $0xFFFF  }
0xd1: {  	s30 =	simm.s32 $0x4;
	[sflag:s29] =	ssyncpa.u1 $0x1  }
0xd2: {  	s31 =	simm.s32 $0x3C;
	s2 =	stileid.u32;
	[sflag:s30] =	ssyncpa.u1 $0x1  }
0xd3: {  	p0 =	sne.s32 s2, $0x0;
	[sflag:s31] =	ssyncpa.u1 $0x1  }
0xd4: {  	s0 =	simm.s32 @p0 $0x1;
	_ =	sfence @p0  }
0xd5: {  	[sflag:s0] =	ssyncpa.u1 @p0 $0x1;
	s0 =	simm.s32 @p0 $0x2  }
0xd6: {  	[sflag:s0] =	ssyncpa.u1 @p0 $0x1  }
0xd7: {  	_ =	strace @p0 $0x9000004A  }
0xd8: {  	[bflag:$0x2] =	sbarrier.arrive @p0 $0xFFFF  }
0xd9: {  	_ =	shalt @p0  }
.LBB2_11:
0xda: {  	_ =	sfence.stream.spmem;
	s0 =	simm.s32 $0x5  }
0xdb: {  	s2 =	simm.s32 $0x80;
	s3 =	simm.s32 $0xC0;
	[sflag:s0] =	ssyncpa.u1 $0x0  }
0xdc: {  	[tilespmem:s3], [sflag:$0x5] =	stream.linear.gather [spmem:s2], $0x20, $0x38;
	[tilespmem:$0x11A60] =	vst v63  }
0xdd: {  	s2 =	simm.s32 $0x0;
	s3 =	simm.s32 $0xE0  }
0xde: {  	[tilespmem:s3], [sflag:$0x5] =	stream.linear.gather [spmem:s2], $0x20, $0x38;
	[tilespmem:$0x11A60] =	vst v63  }
.Ltmp7:
0xdf: {  	_ = 	snop;
	(pc) =	sbr.rel .LBB2_12-.Ltmp7, $4  }
0xe0: {  	_ =	swait.ge [sflag:s0], $0x40  }
0xe1: {  	[sflag:s0] =	ssyncset.done $0x0  }
0xe2: {  	s31 =	simm.s32 $0x6;
	[sflag:s0] =	ssyncadd.s32 $0xFFFFFFC0  }
0xe3: {  	s4 =	simm.s32 $0x0;
	[sflag:s31] =	ssyncpa.u1 $0x0  }
.LBB2_17:
0xe4: {  	p0 =	sgt.u32 s5, $0x27FF  }
0xe5: {  	s0 =	sshrl.u32 @!p0 s5, $0x3  }
0xe6: {  	s5 =	sand.u32 @!p0 $0x7, s5;
	s6 =	simm.s32 @!p0 $0xB0;
	s0 =	sadd.s32 @!p0 s1, s0  }
0xe7: {  	[tilespmem:s6], [sflag:$0x6] =	stream.linear.gather @!p0 [hbm4b:s0+s5], $0x1, $0x38;
	[tilespmem:$0x11A60] =	vst v63  }
0xe8: {  	s0 =	simm.s32 @!p0 $0x6  }
0xe9: {  	_ =	swait.ge @!p0 [sflag:s0], $0x1  }
0xea: {  	[sflag:s0] =	ssyncset.done @!p0 $0x0  }
0xeb: {  	[sflag:s0] =	ssyncadd.s32 @!p0 $0xFFFFFFFF  }
0xec: {  	v2 =	vmov @!p0 s4;
	v1 =	vld.msk @!p0 [tilespmem:$0xB0], $0x1;
	_ =	sdelay $0x3  }
0xed: {  	s0 =	simm.s32 @!p0 $0xE0  }
0xee: {  	[tilespmem:v2+s0+$0x0], v1 =	vst.idx.ret.add.f32.msk @!p0 $0x1, v1  }
0xef: {  	[tilespmem:s2+$0xC0] =	vst.msk $0x1, v0  }
0xf0: {  	v0 =	vld.msk [tilespmem:s4+$0xE0], $0x1;
	_ =	sdelay $0x4  }
0xf1: {  	[tilespmem:s2+$0xE0] =	vst.msk $0x1, v0;
	s2 =	sadd.s32 $0x1, s2  }
.LBB2_19:
0xf2: {  	s4 =	sadd.s32 $0x1, s4  }
0xf3: {  	p0 =	sne.s32 s4, $0x20  }
.Ltmp8:
0xf4: {  	_ = 	snop;
	(pc) =	sbr.rel @!p0 .LBB2_20-.Ltmp8, $1  }
0xf5: {  	_ =	sdelay $0x3  }
.LBB2_12:
0xf6: {  	v0 =	vld.msk [tilespmem:s4+$0xC0], $0x1;
	_ =	sdelay $0x4  }
0xf7: {  	(v2sf) =	vpush v0, $0x0;
	_ =	sdelay $0xe  }
0xf8: {  	s5 =	spop (v2sf)  }
0xf9: {  	p0 =	seq.s32 s5, $0xFFFFFFFF  }
.Ltmp9:
0xfa: {  	_ = 	snop;
	(pc) =	sbr.rel @p0 .LBB2_19-.Ltmp9, $1  }
0xfb: {  	_ =	sdelay $0x3  }
0xfc: {  	p0 =	slt.s32 s2, $0x1  }
.Ltmp10:
0xfd: {  	_ = 	snop;
	(pc) =	sbr.rel @p0 .LBB2_17-.Ltmp10, $1  }
0xfe: {  	_ =	sdelay $0x3  }
0xff: {  	s0 =	simm.s32 $0xC0;
	p0 =	por $0x0, $0x0  }
0x100: {  	v1 =	vld.msk @!p0 [tilespmem:s0+$0x0], $0x1;
	_ =	sdelay $0x4  }
0x101: {  	(v2sf) =	vpush @!p0 v1, $0x0;
	_ =	sdelay $0xd  }
0x102: {  	p2 =	sne.s32 s2, $0x1  }
.Ltmp11:
0x103: {  	s6 =	spop @!p0 (v2sf);
	(pc) =	sbr.rel @!p2 .LBB2_16-.Ltmp11, $4  }
0x104: {  	p1 =	seq.s32 @!p0 s5, s6  }
0x105: {  	s6 =	simm.s32 $0x0;
	p1 =	por !p1, p0  }
0x106: {  	s8 =	simm.s32 $0xFFFFFFFF;
	s6 =	simm.s32 @p1 $0xFFFFFFFF  }
0x107: {  	s7 =	simm.s32 $0x1;
	s6 =	smov.u32 @p0 s8  }
.LBB2_15:
0x108: {  	s8 =	smov.u32 s6;
	p0 =	sne.s32 s6, $0xFFFFFFFF  }
0x109: {  	s0 =	sadd.s32 $0x1, s0;
	s6 =	smov.u32 s7;
	s7 =	sadd.s32 $0x1, s7  }
0x10a: {  	p1 =	sne.s32 s2, s7;
	v1 =	vld.msk @!p0 [tilespmem:s0+$0x0], $0x1;
	_ =	sdelay $0x4  }
0x10b: {  	(v2sf) =	vpush @!p0 v1, $0x0;
	_ =	sdelay $0xe  }
.Ltmp12:
0x10c: {  	s9 =	spop @!p0 (v2sf);
	(pc) =	sbr.rel @p1 .LBB2_15-.Ltmp12, $4  }
0x10d: {  	p2 =	seq.s32 @!p0 s5, s9  }
0x10e: {  	p2 =	por !p2, p0  }
0x10f: {  	s6 =	simm.s32 @p2 $0xFFFFFFFF  }
0x110: {  	s6 =	smov.u32 @p0 s8  }
.LBB2_16:
0x111: {  	p0 =	sne.s32 s6, $0xFFFFFFFF  }
.Ltmp13:
0x112: {  	_ = 	snop;
	(pc) =	sbr.rel @!p0 .LBB2_17-.Ltmp13, $1  }
0x113: {  	_ =	sdelay $0x3  }
0x114: {  	v0 =	vld.msk [tilespmem:s4+$0xE0], $0x1;
	v1 =	vmov s6  }
.Ltmp14:
0x115: {  	_ = 	snop;
	(pc) =	sbr.rel .LBB2_19-.Ltmp14, $2  }
0x116: {  	_ =	sdelay $0x2  }
0x117: {  	[tilespmem:v1+s3+$0x0], v0 =	vst.idx.ret.add.f32.msk $0x1, v0  }
.LBB2_20:
0x118: {  	p0 =	slt.s32 s2, $0x1  }
.Ltmp15:
0x119: {  	_ = 	snop;
	(pc) =	sbr.rel @p0 .LBB2_24-.Ltmp15, $3  }
0x11a: {  	_ =	sdelay $0x1  }
0x11b: {  	s0 =	simm.s32 $0x6  }
0x11c: {  	s3 =	simm.s32 $0x0;
	[sflag:s0] =	ssyncpa.u1 $0x1  }
0x11d: {  	s0 =	simm.s32 $0xC0  }
0x11e: {  	v0 =	vld.msk [tilespmem:s0+$0x0], $0x1;
	_ =	sdelay $0x4  }
0x11f: {  	(v2sf) =	vpush v0, $0x0;
	_ =	sdelay $0xe  }
0x120: {  	s2 =	sadd.s32 $0xFFFFFFFF, s2;
	s4 =	spop (v2sf)  }
0x121: {  	p1 =	sne.s32 s2, $0x0;
	p0 =	sgt.u32 s4, $0x27FF  }
.Ltmp16:
0x122: {  	s5 =	sshrl.u32 @!p0 s4, $0x3;
	(pc) =	sbr.rel @!p1 .LBB2_23-.Ltmp16, $4  }
0x123: {  	s0 =	simm.s32 $0xE0;
	s4 =	sand.u32 @!p0 $0x7, s4;
	s5 =	sadd.s32 @!p0 s1, s5  }
0x124: {  	[hbm4b:s5+s4] =	stream.linear.scatter @!p0 [tilespmem:s0], [sflag:$0x5], $0x1, $0x38;
	[tilespmem:$0x11A60] =	vst v63  }
0x125: {  	s5 =	simm.s32 $0x0  }
0x126: {  	s4 =	simm.s32 $0xC1;
	s5 =	simm.s32 @!p0 $0x4  }
.LBB2_22:
0x127: {  	v0 =	vld.msk [tilespmem:s4+$0x0], $0x1;
	s2 =	sadd.s32 $0xFFFFFFFF, s2;
	s3 =	sadd.s32 s3, s5  }
0x128: {  	p0 =	sne.s32 s2, $0x0;
	_ =	sdelay $0x3  }
0x129: {  	(v2sf) =	vpush v0, $0x0;
	_ =	sdelay $0xe  }
.Ltmp17:
0x12a: {  	s6 =	spop (v2sf);
	(pc) =	sbr.rel @p0 .LBB2_22-.Ltmp17, $4  }
0x12b: {  	s5 =	simm.s32 $0x0;
	p1 =	sgt.u32 s6, $0x27FF  }
0x12c: {  	s0 =	sadd.s32 $0x1, s0;
	s5 =	simm.s32 @!p1 $0x4;
	s7 =	sshrl.u32 @!p1 s6, $0x3  }
0x12d: {  	s4 =	sadd.s32 $0x1, s4;
	s6 =	sand.u32 @!p1 $0x7, s6;
	s7 =	sadd.s32 @!p1 s1, s7  }
0x12e: {  	[hbm4b:s7+s6] =	stream.linear.scatter @!p1 [tilespmem:s0], [sflag:$0x5], $0x1, $0x38;
	[tilespmem:$0x11A60] =	vst v63  }
.LBB2_23:
0x12f: {  	s0 =	sadd.s32 s3, s5  }
0x130: {  	s3 =	sshrl.u32 s0, $0x2  }
.LBB2_24:
0x131: {  	s0 =	simm.s32 $0x5  }
0x132: {  	_ =	swait.ge [sflag:s0], s3  }
0x133: {  	s1 =	ssub.s32 $0x0, s3;
	[sflag:s0] =	ssyncset.done $0x0  }
0x134: {  	[sflag:s0] =	ssyncadd.s32 s1  }
0x135: {  	[sflag:s0] =	ssyncpa.u1 $0x1  }
0x136: {  	s29 =	simm.s32 $0x1;
	_ =	sfence  }
0x137: {  	s30 =	simm.s32 $0x2;
	[sflag:s29] =	ssyncpa.u1 $0x1  }
0x138: {  	[sflag:s30] =	ssyncpa.u1 $0x1  }
0x139: {  	_ =	strace $0x9000004A  }
0x13a: {  	[bflag:$0x2] =	sbarrier.arrive $0xFFFF  }
0x13b: {  	s31 =	rddreg [dreg:$0x1]  }
0x13c: {  	s0 =	sadd.s32 $0x100000, s31  }
0x13d: {  	[sflag:s0] =	ssyncadd.tile.s32 $0x1;
	_ =	shalt  }
.Lfunc_end2:
_tile_overlayer_lowered:
.L_overlay_start_2:
0x13e: {  	(tag) =	ssettag $0x2  }
0x13f: {  	s0 =	rddreg [dreg:$0x0];
	s2 =	stileid.u32  }
0x140: {  	s1 =	rddreg [dreg:$0x1];
	p0 =	sne.s32 s2, $0x0  }
0x141: {  	s3 =	rddreg [dreg:$0x2];
	[bflag:$0x3] =	sbarrier.arrive $0xFFFF;
	s2 =	simm.s32 @!p0 $0x1C01  }
0x142: {  	[timem:s3], [sflag:s2] =	dma.local @!p0 [hbm:s0], s1  }
0x143: {  	s0 =	simm.s32 @!p0 $0x1  }
0x144: {  	_ =	swait.ge @!p0 [sflag:s0], s1  }
0x145: {  	s1 =	ssub.s32 @!p0 $0x0, s1;
	[sflag:s0] =	ssyncset.done @!p0 $0x0  }
0x146: {  	[sflag:s0] =	ssyncadd.s32 @!p0 s1  }
0x147: {  	[bflag:$0x3] =	sbarrier.arrive $0xFFFF  }
0x148: {  	_ =	shalt  }

</sc_bundles>
